<compile_context>
chip_gen: v7x
topology: tpu7x:2x2x1
jax: 0.10.2.dev20260603
libtpu: 0.0.44.dev20260713+nightly
codegen_flags: <defaults>
</compile_context>

<pallas_src>
import functools

import jax
import jax.numpy as jnp
from jax import lax
from jax.experimental import pallas as pl
from jax.experimental.pallas import tpu as pltpu
from jax.experimental.pallas import tpu_sc as plsc

V = 100000
L = 16
CV = 100
CE = 16
CP = 64
WP = 64
W = 3
T = L - W + 1
Lh = L // 2
B, S = 4096, 50
N_TOK = B * S

RB = 4096
N_BLOCKS = (V + 2 + RB - 1) // RB


def _table_body(cc_ref, iosub_ref, eT_ref, bwT_ref, biasT_ref,
                wemb_ref, out_ref):
    ccT = cc_ref[...].T
    ohT = (ccT[:, None, :] == iosub_ref[...][None, :, :]).astype(jnp.bfloat16)
    ohT = ohT.reshape(L * 128, RB)
    ceT_parts = [
        jnp.dot(eT_ref[...], ohT[h * Lh * 128:(h + 1) * Lh * 128, :],
                preferred_element_type=jnp.float32)
        for h in range(2)
    ]
    ceT = jnp.concatenate(ceT_parts, axis=0).astype(jnp.bfloat16)
    convT = jnp.dot(bwT_ref[...], ceT,
                    preferred_element_type=jnp.float32)
    m = convT[0:128, :]
    for j in range(1, T // 2):
        m = jnp.maximum(m, convT[j * 128:(j + 1) * 128, :])
    m = m + biasT_ref[:, 0:1]
    char_partT = jnp.maximum(jnp.maximum(m[0:64, :], m[64:128, :]), 0.0)
    out_ref[...] = jnp.concatenate([char_partT.T, wemb_ref[...]], axis=1)


def _build_table(cc, iosub, ebigT, bigwT, biasT, wemb):
    return pl.pallas_call(
        _table_body,
        grid=(N_BLOCKS,),
        in_specs=[
            pl.BlockSpec((RB, L), lambda i: (i, 0)),
            pl.BlockSpec((128, RB), lambda i: (0, 0)),
            pl.BlockSpec((Lh * CE, Lh * 128), lambda i: (0, 0)),
            pl.BlockSpec((T * CP, L * CE), lambda i: (0, 0)),
            pl.BlockSpec((2 * CP, 8), lambda i: (0, 0)),
            pl.BlockSpec((RB, WP), lambda i: (i, 0)),
        ],
        out_specs=pl.BlockSpec((RB, CP + WP), lambda i: (i, 0)),
        out_shape=jax.ShapeDtypeStruct((V + 2, CP + WP), jnp.float32),
        compiler_params=pltpu.CompilerParams(
            dimension_semantics=("arbitrary",)),
    )(cc, iosub, ebigT, bigwT, biasT, wemb)


_info = plsc.get_sparse_core_info()
_NC, _NS = _info.num_cores, _info.num_subcores
NW = _NC * _NS
B_PER_W = N_TOK // NW
CHUNK = 320
N_CHUNKS = B_PER_W // CHUNK
NBUF = 3


@functools.partial(
    pl.kernel,
    mesh=plsc.VectorSubcoreMesh(core_axis_name="c", subcore_axis_name="s"),
    out_type=jax.ShapeDtypeStruct((N_TOK, CP + WP), jnp.float32),
    scratch_types=(
        [pltpu.VMEM((B_PER_W,), jnp.int32)]
        + [pltpu.VMEM((CHUNK, CP + WP), jnp.float32)] * NBUF
        + [pltpu.SemaphoreType.DMA] * (2 * NBUF)
    ),
)
def _gather_kernel(tab_hbm, idx_hbm, out_hbm, idx_v, *bufs):
    rows = bufs[:NBUF]
    gsems = bufs[NBUF:2 * NBUF]
    wsems = bufs[2 * NBUF:]
    wid = lax.axis_index("s") * _NC + lax.axis_index("c")
    base = wid * B_PER_W
    pltpu.sync_copy(idx_hbm.at[pl.ds(base, B_PER_W)], idx_v)
    gh = [None] * N_CHUNKS
    wh = [None] * N_CHUNKS

    def start_gather(j):
        return pltpu.async_copy(
            tab_hbm.at[idx_v.at[pl.ds(j * CHUNK, CHUNK)]],
            rows[j % NBUF], gsems[j % NBUF])

    for j in range(NBUF - 1):
        gh[j] = start_gather(j)
    for j in range(N_CHUNKS):
        p = j % NBUF
        n = j + NBUF - 1
        if n < N_CHUNKS:
            if n - NBUF >= 0:
                wh[n - NBUF].wait()
            gh[n] = start_gather(n)
        gh[j].wait()
        wh[j] = pltpu.async_copy(
            rows[p], out_hbm.at[pl.ds(base + j * CHUNK, CHUNK)], wsems[p])
    for j in range(N_CHUNKS - NBUF, N_CHUNKS):
        wh[j].wait()


def kernel(x, char_codes, char_emb, conv_w, conv_b, word_emb):
    iosub = jnp.broadcast_to(
        jnp.arange(128, dtype=jnp.int32)[:, None], (128, RB))
    e128 = jnp.zeros((128, CE), jnp.float32).at[:CV].set(char_emb)
    ebigT = jnp.kron(jnp.eye(Lh, dtype=jnp.float32),
                     e128).astype(jnp.bfloat16).T
    shift = jnp.stack([jnp.eye(L, T, -k, dtype=jnp.float32) for k in range(W)])
    bigw = jnp.einsum('klt,oik->lito', shift, conv_w)
    bigwT = bigw.reshape(L * CE, T * CP).astype(jnp.bfloat16).T
    biasT = jnp.broadcast_to(jnp.tile(conv_b, 2)[:, None], (2 * CP, 8))
    idx = x.T.reshape(N_TOK)

    tab = _build_table(char_codes, iosub, ebigT, bigwT, biasT, word_emb)
    out = _gather_kernel(tab, idx)
    return out.reshape(S, B, CP + WP).transpose(1, 0, 2)

# --- scband reference (transcript-rebuilt; emitter-appended) ---
"""Pipeline reference for scband-word-embedding-1597727834552 (READ-ONLY COPY).

The authoritative reference and input builder live on the scoring server;
editing this copy changes nothing except your own understanding.
"""

import jax, jax.numpy as jnp
import numpy as np

V = 100000   # word vocab (codes 2..V+1; 0=<UNK>, 1=<PAD>)
L = 16       # max chars per word
CV = 100     # char vocab (0=<UNK>, 1=<PAD>)
CE = 16      # char internal embedding dim
CP = 64      # char part embedding dim (CNN output channels)
WP = 64      # word part embedding dim
W = 3        # conv window size
B, S = 4096, 50

def setup_inputs(seed: int = 0) -> dict:
    key = jax.random.key(seed)
    ks = jax.random.split(key, 6)
    x = jax.random.randint(ks[0], (B, S), 0, V + 2)
    # precomputed char codes per word in the dictionary (what WordCNN derives from strings)
    char_codes = jax.random.randint(ks[1], (V + 2, L), 0, CV).astype(jnp.int32)
    char_emb = jax.random.normal(ks[2], (CV, CE), dtype=jnp.float32) * 0.1
    conv_w = jax.random.normal(ks[3], (CP, CE, W), dtype=jnp.float32) * 0.1
    conv_b = jnp.zeros((CP,), dtype=jnp.float32)
    word_emb = jax.random.normal(ks[4], (V + 2, WP), dtype=jnp.float32) * 0.1
    word_emb = word_emb.at[1].set(1.0)  # padding_idx=1 row set to 1, as in __init__
    return {"x": x, "char_codes": char_codes, "char_emb": char_emb,
            "conv_w": conv_w, "conv_b": conv_b, "word_emb": word_emb}

def reference(x, char_codes, char_emb, conv_w, conv_b, word_emb):
    # ---- WordCNN char part: gather char codes per word, embed, conv1d, max-pool ----
    cc = jnp.take(char_codes, x, axis=0)        # [B, S, L] int
    ce = jnp.take(char_emb, cc, axis=0)         # [B, S, L, CE]
    T = ce.shape[2] - W + 1
    windows = jnp.stack([ce[:, :, k:k + T, :] for k in range(W)], axis=-1)  # [B,S,T,CE,W]
    conv = jnp.einsum('bstik,oik->bsto', windows, conv_w) + conv_b          # [B,S,T,CP]
    conv = jax.nn.relu(conv)
    char_part = jnp.max(conv, axis=2)           # [B, S, CP]
    # ---- word part: eval-mode path (x = max(x, 0)), embedding lookup ----
    xi = jnp.maximum(x, 0)
    word_part = jnp.take(word_emb, xi, axis=0)  # [B, S, WP]
    return jnp.concatenate([char_part, word_part], axis=-1)  # [B, S, CP+WP]

if __name__ == "__main__":
    import jax
    _d = setup_inputs()
    print(jax.jit(kernel)(*tuple(_d.values())))

</pallas_src>

<mosaic_0001>
#map = affine_map<(d0, d1) -> (0, 0)>
#map1 = affine_map<(d0, d1) -> (0)>
module attributes {stable_mosaic.version = 14 : i64} {
  func.func @_gather_kernel(%arg0: i32, %arg1: i32, %arg2: memref<100002x128xf32, #tpu.memory_space<hbm>>, %arg3: memref<204800xi32, #tpu.memory_space<hbm>>, %arg4: memref<204800x128xf32, #tpu.memory_space<hbm>>, %arg5: memref<6400xi32, #tpu.memory_space<vmem>>, %arg6: memref<320x128xf32, #tpu.memory_space<vmem>>, %arg7: memref<320x128xf32, #tpu.memory_space<vmem>>, %arg8: memref<320x128xf32, #tpu.memory_space<vmem>>, %arg9: memref<!tpu.dma_semaphore, #tpu.memory_space<semaphore_mem>>, %arg10: memref<!tpu.dma_semaphore, #tpu.memory_space<semaphore_mem>>, %arg11: memref<!tpu.dma_semaphore, #tpu.memory_space<semaphore_mem>>, %arg12: memref<!tpu.dma_semaphore, #tpu.memory_space<semaphore_mem>>, %arg13: memref<!tpu.dma_semaphore, #tpu.memory_space<semaphore_mem>>, %arg14: memref<!tpu.dma_semaphore, #tpu.memory_space<semaphore_mem>>) attributes {dimension_semantics = [#tpu.dimension_semantics<core_parallel>, #tpu.dimension_semantics<subcore_parallel>], iteration_bounds = array<i64: 2, 16>, scalar_prefetch = 0 : i64, scratch_operands = 10 : i64, tpu.core_type = #tpu.core_type<sc_vector_subcore>, window_params = [{transform_indices = #map}, {transform_indices = #map1}, {transform_indices = #map}]} {
    %mul3A = arith.constant 2 : i32
    %mul3A_0 = arith.muli %arg1, %mul3A : i32
    %add3A = arith.addi %mul3A_0, %arg0 : i32
    %mul3A_1 = arith.constant 6400 : i32
    %mul3A_2 = arith.muli %add3A, %mul3A_1 : i32
    "tpu.region"() ({
      %run_scoped3A = tpu.sem_alloc : memref<!tpu.dma_semaphore, #tpu.memory_space<semaphore_mem>>
      %dma_start3A_401 = tpu.memref_slice %arg3[%mul3A_2] : memref<204800xi32, #tpu.memory_space<hbm>> -> memref<6400xi32, #tpu.memory_space<hbm>>
      %dma_start3A_402 = tpu.memref_slice %arg3[%mul3A_2] : memref<204800xi32, #tpu.memory_space<hbm>> -> memref<6400xi32, #tpu.memory_space<hbm>>
      tpu.enqueue_dma source(%dma_start3A_402 : memref<6400xi32, #tpu.memory_space<hbm>>) target(%arg5 : memref<6400xi32, #tpu.memory_space<vmem>>) target_semaphore(%run_scoped3A : memref<!tpu.dma_semaphore, #tpu.memory_space<semaphore_mem>>)
      %dma_wait3A_403 = tpu.memref_slice %arg3[%mul3A_2] : memref<204800xi32, #tpu.memory_space<hbm>> -> memref<6400xi32, #tpu.memory_space<hbm>>
      %dma_wait3A_404 = tpu.memref_slice %arg3[%mul3A_2] : memref<204800xi32, #tpu.memory_space<hbm>> -> memref<6400xi32, #tpu.memory_space<hbm>>
      tpu.wait_dma2 semaphore(%run_scoped3A : memref<!tpu.dma_semaphore, #tpu.memory_space<semaphore_mem>>) src(%dma_wait3A_404 : memref<6400xi32, #tpu.memory_space<hbm>>) dst(%arg5 : memref<6400xi32, #tpu.memory_space<vmem>>)
      tpu.yield
    }) : () -> ()
    %dma_start3A = arith.constant 0 : i32
    %dma_start3A_3 = tpu.memref_slice %arg5[%dma_start3A] : memref<6400xi32, #tpu.memory_space<vmem>> -> memref<320xi32, #tpu.memory_space<vmem>>
    %dma_start3A_4 = arith.constant 0 : i32
    %dma_start3A_5 = arith.constant 0 : i32
    %dma_start3A_6 = tpu.memref_slice %arg2[%dma_start3A_4, %dma_start3A_5] : memref<100002x128xf32, #tpu.memory_space<hbm>> -> memref<100002x128xf32, #tpu.memory_space<hbm>>
    tpu.enqueue_indirect_dma source(%dma_start3A_6 : memref<100002x128xf32, #tpu.memory_space<hbm>>) target(%arg6 : memref<320x128xf32, #tpu.memory_space<vmem>>) offsets(%dma_start3A_3 : memref<320xi32, #tpu.memory_space<vmem>>) semaphore(%arg9 : memref<!tpu.dma_semaphore, #tpu.memory_space<semaphore_mem>>)
    %dma_start3A_7 = arith.constant 320 : i32
    %dma_start3A_8 = tpu.memref_slice %arg5[%dma_start3A_7] : memref<6400xi32, #tpu.memory_space<vmem>> -> memref<320xi32, #tpu.memory_space<vmem>>
    %dma_start3A_9 = arith.constant 0 : i32
    %dma_start3A_10 = arith.constant 0 : i32
    %dma_start3A_11 = tpu.memref_slice %arg2[%dma_start3A_9, %dma_start3A_10] : memref<100002x128xf32, #tpu.memory_space<hbm>> -> memref<100002x128xf32, #tpu.memory_space<hbm>>
    tpu.enqueue_indirect_dma source(%dma_start3A_11 : memref<100002x128xf32, #tpu.memory_space<hbm>>) target(%arg7 : memref<320x128xf32, #tpu.memory_space<vmem>>) offsets(%dma_start3A_8 : memref<320xi32, #tpu.memory_space<vmem>>) semaphore(%arg10 : memref<!tpu.dma_semaphore, #tpu.memory_space<semaphore_mem>>)
    %dma_start3A_12 = arith.constant 640 : i32
    %dma_start3A_13 = tpu.memref_slice %arg5[%dma_start3A_12] : memref<6400xi32, #tpu.memory_space<vmem>> -> memref<320xi32, #tpu.memory_space<vmem>>
    %dma_start3A_14 = arith.constant 0 : i32
    %dma_start3A_15 = arith.constant 0 : i32
    %dma_start3A_16 = tpu.memref_slice %arg2[%dma_start3A_14, %dma_start3A_15] : memref<100002x128xf32, #tpu.memory_space<hbm>> -> memref<100002x128xf32, #tpu.memory_space<hbm>>
    tpu.enqueue_indirect_dma source(%dma_start3A_16 : memref<100002x128xf32, #tpu.memory_space<hbm>>) target(%arg8 : memref<320x128xf32, #tpu.memory_space<vmem>>) offsets(%dma_start3A_13 : memref<320xi32, #tpu.memory_space<vmem>>) semaphore(%arg11 : memref<!tpu.dma_semaphore, #tpu.memory_space<semaphore_mem>>)
    %dma_wait3A = arith.constant 0 : i32
    %dma_wait3A_17 = tpu.memref_slice %arg5[%dma_wait3A] : memref<6400xi32, #tpu.memory_space<vmem>> -> memref<320xi32, #tpu.memory_space<vmem>>
    %dma_wait3A_18 = arith.constant 0 : i32
    %dma_wait3A_19 = arith.constant 0 : i32
    %dma_wait3A_20 = tpu.memref_slice %arg2[%dma_wait3A_18, %dma_wait3A_19] : memref<100002x128xf32, #tpu.memory_space<hbm>> -> memref<100002x128xf32, #tpu.memory_space<hbm>>
    tpu.wait_indirect_dma semaphore(%arg9 : memref<!tpu.dma_semaphore, #tpu.memory_space<semaphore_mem>>) src(%dma_wait3A_20 : memref<100002x128xf32, #tpu.memory_space<hbm>>) dst(%arg6 : memref<320x128xf32, #tpu.memory_space<vmem>>)
    %add3A_21 = arith.constant 0 : i32
    %add3A_22 = arith.addi %mul3A_2, %add3A_21 : i32
    %dma_start3A_23 = arith.constant 0 : i32
    %dma_start3A_24 = tpu.memref_slice %arg4[%add3A_22, %dma_start3A_23] : memref<204800x128xf32, #tpu.memory_space<hbm>> -> memref<320x128xf32, #tpu.memory_space<hbm>>
    %dma_start3A_25 = arith.constant 0 : i32
    %dma_start3A_26 = tpu.memref_slice %arg4[%add3A_22, %dma_start3A_25] : memref<204800x128xf32, #tpu.memory_space<hbm>> -> memref<320x128xf32, #tpu.memory_space<hbm>>
    tpu.enqueue_dma source(%arg6 : memref<320x128xf32, #tpu.memory_space<vmem>>) target(%dma_start3A_26 : memref<320x128xf32, #tpu.memory_space<hbm>>) target_semaphore(%arg12 : memref<!tpu.dma_semaphore, #tpu.memory_space<semaphore_mem>>)
    %dma_wait3A_27 = arith.constant 0 : i32
    %dma_wait3A_28 = tpu.memref_slice %arg4[%add3A_22, %dma_wait3A_27] : memref<204800x128xf32, #tpu.memory_space<hbm>> -> memref<320x128xf32, #tpu.memory_space<hbm>>
    %dma_wait3A_29 = arith.constant 0 : i32
    %dma_wait3A_30 = tpu.memref_slice %arg4[%add3A_22, %dma_wait3A_29] : memref<204800x128xf32, #tpu.memory_space<hbm>> -> memref<320x128xf32, #tpu.memory_space<hbm>>
    tpu.wait_dma2 semaphore(%arg12 : memref<!tpu.dma_semaphore, #tpu.memory_space<semaphore_mem>>) src(%arg6 : memref<320x128xf32, #tpu.memory_space<vmem>>) dst(%dma_wait3A_30 : memref<320x128xf32, #tpu.memory_space<hbm>>)
    %dma_start3A_31 = arith.constant 960 : i32
    %dma_start3A_32 = tpu.memref_slice %arg5[%dma_start3A_31] : memref<6400xi32, #tpu.memory_space<vmem>> -> memref<320xi32, #tpu.memory_space<vmem>>
    %dma_start3A_33 = arith.constant 0 : i32
    %dma_start3A_34 = arith.constant 0 : i32
    %dma_start3A_35 = tpu.memref_slice %arg2[%dma_start3A_33, %dma_start3A_34] : memref<100002x128xf32, #tpu.memory_space<hbm>> -> memref<100002x128xf32, #tpu.memory_space<hbm>>
    tpu.enqueue_indirect_dma source(%dma_start3A_35 : memref<100002x128xf32, #tpu.memory_space<hbm>>) target(%arg6 : memref<320x128xf32, #tpu.memory_space<vmem>>) offsets(%dma_start3A_32 : memref<320xi32, #tpu.memory_space<vmem>>) semaphore(%arg9 : memref<!tpu.dma_semaphore, #tpu.memory_space<semaphore_mem>>)
    %dma_wait3A_36 = arith.constant 320 : i32
    %dma_wait3A_37 = tpu.memref_slice %arg5[%dma_wait3A_36] : memref<6400xi32, #tpu.memory_space<vmem>> -> memref<320xi32, #tpu.memory_space<vmem>>
    %dma_wait3A_38 = arith.constant 0 : i32
    %dma_wait3A_39 = arith.constant 0 : i32
    %dma_wait3A_40 = tpu.memref_slice %arg2[%dma_wait3A_38, %dma_wait3A_39] : memref<100002x128xf32, #tpu.memory_space<hbm>> -> memref<100002x128xf32, #tpu.memory_space<hbm>>
    tpu.wait_indirect_dma semaphore(%arg10 : memref<!tpu.dma_semaphore, #tpu.memory_space<semaphore_mem>>) src(%dma_wait3A_40 : memref<100002x128xf32, #tpu.memory_space<hbm>>) dst(%arg7 : memref<320x128xf32, #tpu.memory_space<vmem>>)
    %add3A_41 = arith.constant 320 : i32
    %add3A_42 = arith.addi %mul3A_2, %add3A_41 : i32
    %dma_start3A_43 = arith.constant 0 : i32
    %dma_start3A_44 = tpu.memref_slice %arg4[%add3A_42, %dma_start3A_43] : memref<204800x128xf32, #tpu.memory_space<hbm>> -> memref<320x128xf32, #tpu.memory_space<hbm>>
    %dma_start3A_45 = arith.constant 0 : i32
    %dma_start3A_46 = tpu.memref_slice %arg4[%add3A_42, %dma_start3A_45] : memref<204800x128xf32, #tpu.memory_space<hbm>> -> memref<320x128xf32, #tpu.memory_space<hbm>>
    tpu.enqueue_dma source(%arg7 : memref<320x128xf32, #tpu.memory_space<vmem>>) target(%dma_start3A_46 : memref<320x128xf32, #tpu.memory_space<hbm>>) target_semaphore(%arg13 : memref<!tpu.dma_semaphore, #tpu.memory_space<semaphore_mem>>)
    %dma_wait3A_47 = arith.constant 0 : i32
    %dma_wait3A_48 = tpu.memref_slice %arg4[%add3A_42, %dma_wait3A_47] : memref<204800x128xf32, #tpu.memory_space<hbm>> -> memref<320x128xf32, #tpu.memory_space<hbm>>
    %dma_wait3A_49 = arith.constant 0 : i32
    %dma_wait3A_50 = tpu.memref_slice %arg4[%add3A_42, %dma_wait3A_49] : memref<204800x128xf32, #tpu.memory_space<hbm>> -> memref<320x128xf32, #tpu.memory_space<hbm>>
    tpu.wait_dma2 semaphore(%arg13 : memref<!tpu.dma_semaphore, #tpu.memory_space<semaphore_mem>>) src(%arg7 : memref<320x128xf32, #tpu.memory_space<vmem>>) dst(%dma_wait3A_50 : memref<320x128xf32, #tpu.memory_space<hbm>>)
    %dma_start3A_51 = arith.constant 1280 : i32
    %dma_start3A_52 = tpu.memref_slice %arg5[%dma_start3A_51] : memref<6400xi32, #tpu.memory_space<vmem>> -> memref<320xi32, #tpu.memory_space<vmem>>
    %dma_start3A_53 = arith.constant 0 : i32
    %dma_start3A_54 = arith.constant 0 : i32
    %dma_start3A_55 = tpu.memref_slice %arg2[%dma_start3A_53, %dma_start3A_54] : memref<100002x128xf32, #tpu.memory_space<hbm>> -> memref<100002x128xf32, #tpu.memory_space<hbm>>
    tpu.enqueue_indirect_dma source(%dma_start3A_55 : memref<100002x128xf32, #tpu.memory_space<hbm>>) target(%arg7 : memref<320x128xf32, #tpu.memory_space<vmem>>) offsets(%dma_start3A_52 : memref<320xi32, #tpu.memory_space<vmem>>) semaphore(%arg10 : memref<!tpu.dma_semaphore, #tpu.memory_space<semaphore_mem>>)
    %dma_wait3A_56 = arith.constant 640 : i32
    %dma_wait3A_57 = tpu.memref_slice %arg5[%dma_wait3A_56] : memref<6400xi32, #tpu.memory_space<vmem>> -> memref<320xi32, #tpu.memory_space<vmem>>
    %dma_wait3A_58 = arith.constant 0 : i32
    %dma_wait3A_59 = arith.constant 0 : i32
    %dma_wait3A_60 = tpu.memref_slice %arg2[%dma_wait3A_58, %dma_wait3A_59] : memref<100002x128xf32, #tpu.memory_space<hbm>> -> memref<100002x128xf32, #tpu.memory_space<hbm>>
    tpu.wait_indirect_dma semaphore(%arg11 : memref<!tpu.dma_semaphore, #tpu.memory_space<semaphore_mem>>) src(%dma_wait3A_60 : memref<100002x128xf32, #tpu.memory_space<hbm>>) dst(%arg8 : memref<320x128xf32, #tpu.memory_space<vmem>>)
    %add3A_61 = arith.constant 640 : i32
    %add3A_62 = arith.addi %mul3A_2, %add3A_61 : i32
    %dma_start3A_63 = arith.constant 0 : i32
    %dma_start3A_64 = tpu.memref_slice %arg4[%add3A_62, %dma_start3A_63] : memref<204800x128xf32, #tpu.memory_space<hbm>> -> memref<320x128xf32, #tpu.memory_space<hbm>>
    %dma_start3A_65 = arith.constant 0 : i32
    %dma_start3A_66 = tpu.memref_slice %arg4[%add3A_62, %dma_start3A_65] : memref<204800x128xf32, #tpu.memory_space<hbm>> -> memref<320x128xf32, #tpu.memory_space<hbm>>
    tpu.enqueue_dma source(%arg8 : memref<320x128xf32, #tpu.memory_space<vmem>>) target(%dma_start3A_66 : memref<320x128xf32, #tpu.memory_space<hbm>>) target_semaphore(%arg14 : memref<!tpu.dma_semaphore, #tpu.memory_space<semaphore_mem>>)
    %dma_wait3A_67 = arith.constant 0 : i32
    %dma_wait3A_68 = tpu.memref_slice %arg4[%add3A_62, %dma_wait3A_67] : memref<204800x128xf32, #tpu.memory_space<hbm>> -> memref<320x128xf32, #tpu.memory_space<hbm>>
    %dma_wait3A_69 = arith.constant 0 : i32
    %dma_wait3A_70 = tpu.memref_slice %arg4[%add3A_62, %dma_wait3A_69] : memref<204800x128xf32, #tpu.memory_space<hbm>> -> memref<320x128xf32, #tpu.memory_space<hbm>>
    tpu.wait_dma2 semaphore(%arg14 : memref<!tpu.dma_semaphore, #tpu.memory_space<semaphore_mem>>) src(%arg8 : memref<320x128xf32, #tpu.memory_space<vmem>>) dst(%dma_wait3A_70 : memref<320x128xf32, #tpu.memory_space<hbm>>)
    %dma_start3A_71 = arith.constant 1600 : i32
    %dma_start3A_72 = tpu.memref_slice %arg5[%dma_start3A_71] : memref<6400xi32, #tpu.memory_space<vmem>> -> memref<320xi32, #tpu.memory_space<vmem>>
    %dma_start3A_73 = arith.constant 0 : i32
    %dma_start3A_74 = arith.constant 0 : i32
    %dma_start3A_75 = tpu.memref_slice %arg2[%dma_start3A_73, %dma_start3A_74] : memref<100002x128xf32, #tpu.memory_space<hbm>> -> memref<100002x128xf32, #tpu.memory_space<hbm>>
    tpu.enqueue_indirect_dma source(%dma_start3A_75 : memref<100002x128xf32, #tpu.memory_space<hbm>>) target(%arg8 : memref<320x128xf32, #tpu.memory_space<vmem>>) offsets(%dma_start3A_72 : memref<320xi32, #tpu.memory_space<vmem>>) semaphore(%arg11 : memref<!tpu.dma_semaphore, #tpu.memory_space<semaphore_mem>>)
    %dma_wait3A_76 = arith.constant 960 : i32
    %dma_wait3A_77 = tpu.memref_slice %arg5[%dma_wait3A_76] : memref<6400xi32, #tpu.memory_space<vmem>> -> memref<320xi32, #tpu.memory_space<vmem>>
    %dma_wait3A_78 = arith.constant 0 : i32
    %dma_wait3A_79 = arith.constant 0 : i32
    %dma_wait3A_80 = tpu.memref_slice %arg2[%dma_wait3A_78, %dma_wait3A_79] : memref<100002x128xf32, #tpu.memory_space<hbm>> -> memref<100002x128xf32, #tpu.memory_space<hbm>>
    tpu.wait_indirect_dma semaphore(%arg9 : memref<!tpu.dma_semaphore, #tpu.memory_space<semaphore_mem>>) src(%dma_wait3A_80 : memref<100002x128xf32, #tpu.memory_space<hbm>>) dst(%arg6 : memref<320x128xf32, #tpu.memory_space<vmem>>)
    %add3A_81 = arith.constant 960 : i32
    %add3A_82 = arith.addi %mul3A_2, %add3A_81 : i32
    %dma_start3A_83 = arith.constant 0 : i32
    %dma_start3A_84 = tpu.memref_slice %arg4[%add3A_82, %dma_start3A_83] : memref<204800x128xf32, #tpu.memory_space<hbm>> -> memref<320x128xf32, #tpu.memory_space<hbm>>
    %dma_start3A_85 = arith.constant 0 : i32
    %dma_start3A_86 = tpu.memref_slice %arg4[%add3A_82, %dma_start3A_85] : memref<204800x128xf32, #tpu.memory_space<hbm>> -> memref<320x128xf32, #tpu.memory_space<hbm>>
    tpu.enqueue_dma source(%arg6 : memref<320x128xf32, #tpu.memory_space<vmem>>) target(%dma_start3A_86 : memref<320x128xf32, #tpu.memory_space<hbm>>) target_semaphore(%arg12 : memref<!tpu.dma_semaphore, #tpu.memory_space<semaphore_mem>>)
    %dma_wait3A_87 = arith.constant 0 : i32
    %dma_wait3A_88 = tpu.memref_slice %arg4[%add3A_82, %dma_wait3A_87] : memref<204800x128xf32, #tpu.memory_space<hbm>> -> memref<320x128xf32, #tpu.memory_space<hbm>>
    %dma_wait3A_89 = arith.constant 0 : i32
    %dma_wait3A_90 = tpu.memref_slice %arg4[%add3A_82, %dma_wait3A_89] : memref<204800x128xf32, #tpu.memory_space<hbm>> -> memref<320x128xf32, #tpu.memory_space<hbm>>
    tpu.wait_dma2 semaphore(%arg12 : memref<!tpu.dma_semaphore, #tpu.memory_space<semaphore_mem>>) src(%arg6 : memref<320x128xf32, #tpu.memory_space<vmem>>) dst(%dma_wait3A_90 : memref<320x128xf32, #tpu.memory_space<hbm>>)
    %dma_start3A_91 = arith.constant 1920 : i32
    %dma_start3A_92 = tpu.memref_slice %arg5[%dma_start3A_91] : memref<6400xi32, #tpu.memory_space<vmem>> -> memref<320xi32, #tpu.memory_space<vmem>>
    %dma_start3A_93 = arith.constant 0 : i32
    %dma_start3A_94 = arith.constant 0 : i32
    %dma_start3A_95 = tpu.memref_slice %arg2[%dma_start3A_93, %dma_start3A_94] : memref<100002x128xf32, #tpu.memory_space<hbm>> -> memref<100002x128xf32, #tpu.memory_space<hbm>>
    tpu.enqueue_indirect_dma source(%dma_start3A_95 : memref<100002x128xf32, #tpu.memory_space<hbm>>) target(%arg6 : memref<320x128xf32, #tpu.memory_space<vmem>>) offsets(%dma_start3A_92 : memref<320xi32, #tpu.memory_space<vmem>>) semaphore(%arg9 : memref<!tpu.dma_semaphore, #tpu.memory_space<semaphore_mem>>)
    %dma_wait3A_96 = arith.constant 1280 : i32
    %dma_wait3A_97 = tpu.memref_slice %arg5[%dma_wait3A_96] : memref<6400xi32, #tpu.memory_space<vmem>> -> memref<320xi32, #tpu.memory_space<vmem>>
    %dma_wait3A_98 = arith.constant 0 : i32
    %dma_wait3A_99 = arith.constant 0 : i32
    %dma_wait3A_100 = tpu.memref_slice %arg2[%dma_wait3A_98, %dma_wait3A_99] : memref<100002x128xf32, #tpu.memory_space<hbm>> -> memref<100002x128xf32, #tpu.memory_space<hbm>>
    tpu.wait_indirect_dma semaphore(%arg10 : memref<!tpu.dma_semaphore, #tpu.memory_space<semaphore_mem>>) src(%dma_wait3A_100 : memref<100002x128xf32, #tpu.memory_space<hbm>>) dst(%arg7 : memref<320x128xf32, #tpu.memory_space<vmem>>)
    %add3A_101 = arith.constant 1280 : i32
    %add3A_102 = arith.addi %mul3A_2, %add3A_101 : i32
    %dma_start3A_103 = arith.constant 0 : i32
    %dma_start3A_104 = tpu.memref_slice %arg4[%add3A_102, %dma_start3A_103] : memref<204800x128xf32, #tpu.memory_space<hbm>> -> memref<320x128xf32, #tpu.memory_space<hbm>>
    %dma_start3A_105 = arith.constant 0 : i32
    %dma_start3A_106 = tpu.memref_slice %arg4[%add3A_102, %dma_start3A_105] : memref<204800x128xf32, #tpu.memory_space<hbm>> -> memref<320x128xf32, #tpu.memory_space<hbm>>
    tpu.enqueue_dma source(%arg7 : memref<320x128xf32, #tpu.memory_space<vmem>>) target(%dma_start3A_106 : memref<320x128xf32, #tpu.memory_space<hbm>>) target_semaphore(%arg13 : memref<!tpu.dma_semaphore, #tpu.memory_space<semaphore_mem>>)
    %dma_wait3A_107 = arith.constant 0 : i32
    %dma_wait3A_108 = tpu.memref_slice %arg4[%add3A_102, %dma_wait3A_107] : memref<204800x128xf32, #tpu.memory_space<hbm>> -> memref<320x128xf32, #tpu.memory_space<hbm>>
    %dma_wait3A_109 = arith.constant 0 : i32
    %dma_wait3A_110 = tpu.memref_slice %arg4[%add3A_102, %dma_wait3A_109] : memref<204800x128xf32, #tpu.memory_space<hbm>> -> memref<320x128xf32, #tpu.memory_space<hbm>>
    tpu.wait_dma2 semaphore(%arg13 : memref<!tpu.dma_semaphore, #tpu.memory_space<semaphore_mem>>) src(%arg7 : memref<320x128xf32, #tpu.memory_space<vmem>>) dst(%dma_wait3A_110 : memref<320x128xf32, #tpu.memory_space<hbm>>)
    %dma_start3A_111 = arith.constant 2240 : i32
    %dma_start3A_112 = tpu.memref_slice %arg5[%dma_start3A_111] : memref<6400xi32, #tpu.memory_space<vmem>> -> memref<320xi32, #tpu.memory_space<vmem>>
    %dma_start3A_113 = arith.constant 0 : i32
    %dma_start3A_114 = arith.constant 0 : i32
    %dma_start3A_115 = tpu.memref_slice %arg2[%dma_start3A_113, %dma_start3A_114] : memref<100002x128xf32, #tpu.memory_space<hbm>> -> memref<100002x128xf32, #tpu.memory_space<hbm>>
    tpu.enqueue_indirect_dma source(%dma_start3A_115 : memref<100002x128xf32, #tpu.memory_space<hbm>>) target(%arg7 : memref<320x128xf32, #tpu.memory_space<vmem>>) offsets(%dma_start3A_112 : memref<320xi32, #tpu.memory_space<vmem>>) semaphore(%arg10 : memref<!tpu.dma_semaphore, #tpu.memory_space<semaphore_mem>>)
    %dma_wait3A_116 = arith.constant 1600 : i32
    %dma_wait3A_117 = tpu.memref_slice %arg5[%dma_wait3A_116] : memref<6400xi32, #tpu.memory_space<vmem>> -> memref<320xi32, #tpu.memory_space<vmem>>
    %dma_wait3A_118 = arith.constant 0 : i32
    %dma_wait3A_119 = arith.constant 0 : i32
    %dma_wait3A_120 = tpu.memref_slice %arg2[%dma_wait3A_118, %dma_wait3A_119] : memref<100002x128xf32, #tpu.memory_space<hbm>> -> memref<100002x128xf32, #tpu.memory_space<hbm>>
    tpu.wait_indirect_dma semaphore(%arg11 : memref<!tpu.dma_semaphore, #tpu.memory_space<semaphore_mem>>) src(%dma_wait3A_120 : memref<100002x128xf32, #tpu.memory_space<hbm>>) dst(%arg8 : memref<320x128xf32, #tpu.memory_space<vmem>>)
    %add3A_121 = arith.constant 1600 : i32
    %add3A_122 = arith.addi %mul3A_2, %add3A_121 : i32
    %dma_start3A_123 = arith.constant 0 : i32
    %dma_start3A_124 = tpu.memref_slice %arg4[%add3A_122, %dma_start3A_123] : memref<204800x128xf32, #tpu.memory_space<hbm>> -> memref<320x128xf32, #tpu.memory_space<hbm>>
    %dma_start3A_125 = arith.constant 0 : i32
    %dma_start3A_126 = tpu.memref_slice %arg4[%add3A_122, %dma_start3A_125] : memref<204800x128xf32, #tpu.memory_space<hbm>> -> memref<320x128xf32, #tpu.memory_space<hbm>>
    tpu.enqueue_dma source(%arg8 : memref<320x128xf32, #tpu.memory_space<vmem>>) target(%dma_start3A_126 : memref<320x128xf32, #tpu.memory_space<hbm>>) target_semaphore(%arg14 : memref<!tpu.dma_semaphore, #tpu.memory_space<semaphore_mem>>)
    %dma_wait3A_127 = arith.constant 0 : i32
    %dma_wait3A_128 = tpu.memref_slice %arg4[%add3A_122, %dma_wait3A_127] : memref<204800x128xf32, #tpu.memory_space<hbm>> -> memref<320x128xf32, #tpu.memory_space<hbm>>
    %dma_wait3A_129 = arith.constant 0 : i32
    %dma_wait3A_130 = tpu.memref_slice %arg4[%add3A_122, %dma_wait3A_129] : memref<204800x128xf32, #tpu.memory_space<hbm>> -> memref<320x128xf32, #tpu.memory_space<hbm>>
    tpu.wait_dma2 semaphore(%arg14 : memref<!tpu.dma_semaphore, #tpu.memory_space<semaphore_mem>>) src(%arg8 : memref<320x128xf32, #tpu.memory_space<vmem>>) dst(%dma_wait3A_130 : memref<320x128xf32, #tpu.memory_space<hbm>>)
    %dma_start3A_131 = arith.constant 2560 : i32
    %dma_start3A_132 = tpu.memref_slice %arg5[%dma_start3A_131] : memref<6400xi32, #tpu.memory_space<vmem>> -> memref<320xi32, #tpu.memory_space<vmem>>
    %dma_start3A_133 = arith.constant 0 : i32
    %dma_start3A_134 = arith.constant 0 : i32
    %dma_start3A_135 = tpu.memref_slice %arg2[%dma_start3A_133, %dma_start3A_134] : memref<100002x128xf32, #tpu.memory_space<hbm>> -> memref<100002x128xf32, #tpu.memory_space<hbm>>
    tpu.enqueue_indirect_dma source(%dma_start3A_135 : memref<100002x128xf32, #tpu.memory_space<hbm>>) target(%arg8 : memref<320x128xf32, #tpu.memory_space<vmem>>) offsets(%dma_start3A_132 : memref<320xi32, #tpu.memory_space<vmem>>) semaphore(%arg11 : memref<!tpu.dma_semaphore, #tpu.memory_space<semaphore_mem>>)
    %dma_wait3A_136 = arith.constant 1920 : i32
    %dma_wait3A_137 = tpu.memref_slice %arg5[%dma_wait3A_136] : memref<6400xi32, #tpu.memory_space<vmem>> -> memref<320xi32, #tpu.memory_space<vmem>>
    %dma_wait3A_138 = arith.constant 0 : i32
    %dma_wait3A_139 = arith.constant 0 : i32
    %dma_wait3A_140 = tpu.memref_slice %arg2[%dma_wait3A_138, %dma_wait3A_139] : memref<100002x128xf32, #tpu.memory_space<hbm>> -> memref<100002x128xf32, #tpu.memory_space<hbm>>
    tpu.wait_indirect_dma semaphore(%arg9 : memref<!tpu.dma_semaphore, #tpu.memory_space<semaphore_mem>>) src(%dma_wait3A_140 : memref<100002x128xf32, #tpu.memory_space<hbm>>) dst(%arg6 : memref<320x128xf32, #tpu.memory_space<vmem>>)
    %add3A_141 = arith.constant 1920 : i32
    %add3A_142 = arith.addi %mul3A_2, %add3A_141 : i32
    %dma_start3A_143 = arith.constant 0 : i32
    %dma_start3A_144 = tpu.memref_slice %arg4[%add3A_142, %dma_start3A_143] : memref<204800x128xf32, #tpu.memory_space<hbm>> -> memref<320x128xf32, #tpu.memory_space<hbm>>
    %dma_start3A_145 = arith.constant 0 : i32
    %dma_start3A_146 = tpu.memref_slice %arg4[%add3A_142, %dma_start3A_145] : memref<204800x128xf32, #tpu.memory_space<hbm>> -> memref<320x128xf32, #tpu.memory_space<hbm>>
    tpu.enqueue_dma source(%arg6 : memref<320x128xf32, #tpu.memory_space<vmem>>) target(%dma_start3A_146 : memref<320x128xf32, #tpu.memory_space<hbm>>) target_semaphore(%arg12 : memref<!tpu.dma_semaphore, #tpu.memory_space<semaphore_mem>>)
    %dma_wait3A_147 = arith.constant 0 : i32
    %dma_wait3A_148 = tpu.memref_slice %arg4[%add3A_142, %dma_wait3A_147] : memref<204800x128xf32, #tpu.memory_space<hbm>> -> memref<320x128xf32, #tpu.memory_space<hbm>>
    %dma_wait3A_149 = arith.constant 0 : i32
    %dma_wait3A_150 = tpu.memref_slice %arg4[%add3A_142, %dma_wait3A_149] : memref<204800x128xf32, #tpu.memory_space<hbm>> -> memref<320x128xf32, #tpu.memory_space<hbm>>
    tpu.wait_dma2 semaphore(%arg12 : memref<!tpu.dma_semaphore, #tpu.memory_space<semaphore_mem>>) src(%arg6 : memref<320x128xf32, #tpu.memory_space<vmem>>) dst(%dma_wait3A_150 : memref<320x128xf32, #tpu.memory_space<hbm>>)
    %dma_start3A_151 = arith.constant 2880 : i32
    %dma_start3A_152 = tpu.memref_slice %arg5[%dma_start3A_151] : memref<6400xi32, #tpu.memory_space<vmem>> -> memref<320xi32, #tpu.memory_space<vmem>>
    %dma_start3A_153 = arith.constant 0 : i32
    %dma_start3A_154 = arith.constant 0 : i32
    %dma_start3A_155 = tpu.memref_slice %arg2[%dma_start3A_153, %dma_start3A_154] : memref<100002x128xf32, #tpu.memory_space<hbm>> -> memref<100002x128xf32, #tpu.memory_space<hbm>>
    tpu.enqueue_indirect_dma source(%dma_start3A_155 : memref<100002x128xf32, #tpu.memory_space<hbm>>) target(%arg6 : memref<320x128xf32, #tpu.memory_space<vmem>>) offsets(%dma_start3A_152 : memref<320xi32, #tpu.memory_space<vmem>>) semaphore(%arg9 : memref<!tpu.dma_semaphore, #tpu.memory_space<semaphore_mem>>)
    %dma_wait3A_156 = arith.constant 2240 : i32
    %dma_wait3A_157 = tpu.memref_slice %arg5[%dma_wait3A_156] : memref<6400xi32, #tpu.memory_space<vmem>> -> memref<320xi32, #tpu.memory_space<vmem>>
    %dma_wait3A_158 = arith.constant 0 : i32
    %dma_wait3A_159 = arith.constant 0 : i32
    %dma_wait3A_160 = tpu.memref_slice %arg2[%dma_wait3A_158, %dma_wait3A_159] : memref<100002x128xf32, #tpu.memory_space<hbm>> -> memref<100002x128xf32, #tpu.memory_space<hbm>>
    tpu.wait_indirect_dma semaphore(%arg10 : memref<!tpu.dma_semaphore, #tpu.memory_space<semaphore_mem>>) src(%dma_wait3A_160 : memref<100002x128xf32, #tpu.memory_space<hbm>>) dst(%arg7 : memref<320x128xf32, #tpu.memory_space<vmem>>)
    %add3A_161 = arith.constant 2240 : i32
    %add3A_162 = arith.addi %mul3A_2, %add3A_161 : i32
    %dma_start3A_163 = arith.constant 0 : i32
    %dma_start3A_164 = tpu.memref_slice %arg4[%add3A_162, %dma_start3A_163] : memref<204800x128xf32, #tpu.memory_space<hbm>> -> memref<320x128xf32, #tpu.memory_space<hbm>>
    %dma_start3A_165 = arith.constant 0 : i32
    %dma_start3A_166 = tpu.memref_slice %arg4[%add3A_162, %dma_start3A_165] : memref<204800x128xf32, #tpu.memory_space<hbm>> -> memref<320x128xf32, #tpu.memory_space<hbm>>
    tpu.enqueue_dma source(%arg7 : memref<320x128xf32, #tpu.memory_space<vmem>>) target(%dma_start3A_166 : memref<320x128xf32, #tpu.memory_space<hbm>>) target_semaphore(%arg13 : memref<!tpu.dma_semaphore, #tpu.memory_space<semaphore_mem>>)
    %dma_wait3A_167 = arith.constant 0 : i32
    %dma_wait3A_168 = tpu.memref_slice %arg4[%add3A_162, %dma_wait3A_167] : memref<204800x128xf32, #tpu.memory_space<hbm>> -> memref<320x128xf32, #tpu.memory_space<hbm>>
    %dma_wait3A_169 = arith.constant 0 : i32
    %dma_wait3A_170 = tpu.memref_slice %arg4[%add3A_162, %dma_wait3A_169] : memref<204800x128xf32, #tpu.memory_space<hbm>> -> memref<320x128xf32, #tpu.memory_space<hbm>>
    tpu.wait_dma2 semaphore(%arg13 : memref<!tpu.dma_semaphore, #tpu.memory_space<semaphore_mem>>) src(%arg7 : memref<320x128xf32, #tpu.memory_space<vmem>>) dst(%dma_wait3A_170 : memref<320x128xf32, #tpu.memory_space<hbm>>)
    %dma_start3A_171 = arith.constant 3200 : i32
    %dma_start3A_172 = tpu.memref_slice %arg5[%dma_start3A_171] : memref<6400xi32, #tpu.memory_space<vmem>> -> memref<320xi32, #tpu.memory_space<vmem>>
    %dma_start3A_173 = arith.constant 0 : i32
    %dma_start3A_174 = arith.constant 0 : i32
    %dma_start3A_175 = tpu.memref_slice %arg2[%dma_start3A_173, %dma_start3A_174] : memref<100002x128xf32, #tpu.memory_space<hbm>> -> memref<100002x128xf32, #tpu.memory_space<hbm>>
    tpu.enqueue_indirect_dma source(%dma_start3A_175 : memref<100002x128xf32, #tpu.memory_space<hbm>>) target(%arg7 : memref<320x128xf32, #tpu.memory_space<vmem>>) offsets(%dma_start3A_172 : memref<320xi32, #tpu.memory_space<vmem>>) semaphore(%arg10 : memref<!tpu.dma_semaphore, #tpu.memory_space<semaphore_mem>>)
    %dma_wait3A_176 = arith.constant 2560 : i32
    %dma_wait3A_177 = tpu.memref_slice %arg5[%dma_wait3A_176] : memref<6400xi32, #tpu.memory_space<vmem>> -> memref<320xi32, #tpu.memory_space<vmem>>
    %dma_wait3A_178 = arith.constant 0 : i32
    %dma_wait3A_179 = arith.constant 0 : i32
    %dma_wait3A_180 = tpu.memref_slice %arg2[%dma_wait3A_178, %dma_wait3A_179] : memref<100002x128xf32, #tpu.memory_space<hbm>> -> memref<100002x128xf32, #tpu.memory_space<hbm>>
    tpu.wait_indirect_dma semaphore(%arg11 : memref<!tpu.dma_semaphore, #tpu.memory_space<semaphore_mem>>) src(%dma_wait3A_180 : memref<100002x128xf32, #tpu.memory_space<hbm>>) dst(%arg8 : memref<320x128xf32, #tpu.memory_space<vmem>>)
    %add3A_181 = arith.constant 2560 : i32
    %add3A_182 = arith.addi %mul3A_2, %add3A_181 : i32
    %dma_start3A_183 = arith.constant 0 : i32
    %dma_start3A_184 = tpu.memref_slice %arg4[%add3A_182, %dma_start3A_183] : memref<204800x128xf32, #tpu.memory_space<hbm>> -> memref<320x128xf32, #tpu.memory_space<hbm>>
    %dma_start3A_185 = arith.constant 0 : i32
    %dma_start3A_186 = tpu.memref_slice %arg4[%add3A_182, %dma_start3A_185] : memref<204800x128xf32, #tpu.memory_space<hbm>> -> memref<320x128xf32, #tpu.memory_space<hbm>>
    tpu.enqueue_dma source(%arg8 : memref<320x128xf32, #tpu.memory_space<vmem>>) target(%dma_start3A_186 : memref<320x128xf32, #tpu.memory_space<hbm>>) target_semaphore(%arg14 : memref<!tpu.dma_semaphore, #tpu.memory_space<semaphore_mem>>)
    %dma_wait3A_187 = arith.constant 0 : i32
    %dma_wait3A_188 = tpu.memref_slice %arg4[%add3A_182, %dma_wait3A_187] : memref<204800x128xf32, #tpu.memory_space<hbm>> -> memref<320x128xf32, #tpu.memory_space<hbm>>
    %dma_wait3A_189 = arith.constant 0 : i32
    %dma_wait3A_190 = tpu.memref_slice %arg4[%add3A_182, %dma_wait3A_189] : memref<204800x128xf32, #tpu.memory_space<hbm>> -> memref<320x128xf32, #tpu.memory_space<hbm>>
    tpu.wait_dma2 semaphore(%arg14 : memref<!tpu.dma_semaphore, #tpu.memory_space<semaphore_mem>>) src(%arg8 : memref<320x128xf32, #tpu.memory_space<vmem>>) dst(%dma_wait3A_190 : memref<320x128xf32, #tpu.memory_space<hbm>>)
    %dma_start3A_191 = arith.constant 3520 : i32
    %dma_start3A_192 = tpu.memref_slice %arg5[%dma_start3A_191] : memref<6400xi32, #tpu.memory_space<vmem>> -> memref<320xi32, #tpu.memory_space<vmem>>
    %dma_start3A_193 = arith.constant 0 : i32
    %dma_start3A_194 = arith.constant 0 : i32
    %dma_start3A_195 = tpu.memref_slice %arg2[%dma_start3A_193, %dma_start3A_194] : memref<100002x128xf32, #tpu.memory_space<hbm>> -> memref<100002x128xf32, #tpu.memory_space<hbm>>
    tpu.enqueue_indirect_dma source(%dma_start3A_195 : memref<100002x128xf32, #tpu.memory_space<hbm>>) target(%arg8 : memref<320x128xf32, #tpu.memory_space<vmem>>) offsets(%dma_start3A_192 : memref<320xi32, #tpu.memory_space<vmem>>) semaphore(%arg11 : memref<!tpu.dma_semaphore, #tpu.memory_space<semaphore_mem>>)
    %dma_wait3A_196 = arith.constant 2880 : i32
    %dma_wait3A_197 = tpu.memref_slice %arg5[%dma_wait3A_196] : memref<6400xi32, #tpu.memory_space<vmem>> -> memref<320xi32, #tpu.memory_space<vmem>>
    %dma_wait3A_198 = arith.constant 0 : i32
    %dma_wait3A_199 = arith.constant 0 : i32
    %dma_wait3A_200 = tpu.memref_slice %arg2[%dma_wait3A_198, %dma_wait3A_199] : memref<100002x128xf32, #tpu.memory_space<hbm>> -> memref<100002x128xf32, #tpu.memory_space<hbm>>
    tpu.wait_indirect_dma semaphore(%arg9 : memref<!tpu.dma_semaphore, #tpu.memory_space<semaphore_mem>>) src(%dma_wait3A_200 : memref<100002x128xf32, #tpu.memory_space<hbm>>) dst(%arg6 : memref<320x128xf32, #tpu.memory_space<vmem>>)
    %add3A_201 = arith.constant 2880 : i32
    %add3A_202 = arith.addi %mul3A_2, %add3A_201 : i32
    %dma_start3A_203 = arith.constant 0 : i32
    %dma_start3A_204 = tpu.memref_slice %arg4[%add3A_202, %dma_start3A_203] : memref<204800x128xf32, #tpu.memory_space<hbm>> -> memref<320x128xf32, #tpu.memory_space<hbm>>
    %dma_start3A_205 = arith.constant 0 : i32
    %dma_start3A_206 = tpu.memref_slice %arg4[%add3A_202, %dma_start3A_205] : memref<204800x128xf32, #tpu.memory_space<hbm>> -> memref<320x128xf32, #tpu.memory_space<hbm>>
    tpu.enqueue_dma source(%arg6 : memref<320x128xf32, #tpu.memory_space<vmem>>) target(%dma_start3A_206 : memref<320x128xf32, #tpu.memory_space<hbm>>) target_semaphore(%arg12 : memref<!tpu.dma_semaphore, #tpu.memory_space<semaphore_mem>>)
    %dma_wait3A_207 = arith.constant 0 : i32
    %dma_wait3A_208 = tpu.memref_slice %arg4[%add3A_202, %dma_wait3A_207] : memref<204800x128xf32, #tpu.memory_space<hbm>> -> memref<320x128xf32, #tpu.memory_space<hbm>>
    %dma_wait3A_209 = arith.constant 0 : i32
    %dma_wait3A_210 = tpu.memref_slice %arg4[%add3A_202, %dma_wait3A_209] : memref<204800x128xf32, #tpu.memory_space<hbm>> -> memref<320x128xf32, #tpu.memory_space<hbm>>
    tpu.wait_dma2 semaphore(%arg12 : memref<!tpu.dma_semaphore, #tpu.memory_space<semaphore_mem>>) src(%arg6 : memref<320x128xf32, #tpu.memory_space<vmem>>) dst(%dma_wait3A_210 : memref<320x128xf32, #tpu.memory_space<hbm>>)
    %dma_start3A_211 = arith.constant 3840 : i32
    %dma_start3A_212 = tpu.memref_slice %arg5[%dma_start3A_211] : memref<6400xi32, #tpu.memory_space<vmem>> -> memref<320xi32, #tpu.memory_space<vmem>>
    %dma_start3A_213 = arith.constant 0 : i32
    %dma_start3A_214 = arith.constant 0 : i32
    %dma_start3A_215 = tpu.memref_slice %arg2[%dma_start3A_213, %dma_start3A_214] : memref<100002x128xf32, #tpu.memory_space<hbm>> -> memref<100002x128xf32, #tpu.memory_space<hbm>>
    tpu.enqueue_indirect_dma source(%dma_start3A_215 : memref<100002x128xf32, #tpu.memory_space<hbm>>) target(%arg6 : memref<320x128xf32, #tpu.memory_space<vmem>>) offsets(%dma_start3A_212 : memref<320xi32, #tpu.memory_space<vmem>>) semaphore(%arg9 : memref<!tpu.dma_semaphore, #tpu.memory_space<semaphore_mem>>)
    %dma_wait3A_216 = arith.constant 3200 : i32
    %dma_wait3A_217 = tpu.memref_slice %arg5[%dma_wait3A_216] : memref<6400xi32, #tpu.memory_space<vmem>> -> memref<320xi32, #tpu.memory_space<vmem>>
    %dma_wait3A_218 = arith.constant 0 : i32
    %dma_wait3A_219 = arith.constant 0 : i32
    %dma_wait3A_220 = tpu.memref_slice %arg2[%dma_wait3A_218, %dma_wait3A_219] : memref<100002x128xf32, #tpu.memory_space<hbm>> -> memref<100002x128xf32, #tpu.memory_space<hbm>>
    tpu.wait_indirect_dma semaphore(%arg10 : memref<!tpu.dma_semaphore, #tpu.memory_space<semaphore_mem>>) src(%dma_wait3A_220 : memref<100002x128xf32, #tpu.memory_space<hbm>>) dst(%arg7 : memref<320x128xf32, #tpu.memory_space<vmem>>)
    %add3A_221 = arith.constant 3200 : i32
    %add3A_222 = arith.addi %mul3A_2, %add3A_221 : i32
    %dma_start3A_223 = arith.constant 0 : i32
    %dma_start3A_224 = tpu.memref_slice %arg4[%add3A_222, %dma_start3A_223] : memref<204800x128xf32, #tpu.memory_space<hbm>> -> memref<320x128xf32, #tpu.memory_space<hbm>>
    %dma_start3A_225 = arith.constant 0 : i32
    %dma_start3A_226 = tpu.memref_slice %arg4[%add3A_222, %dma_start3A_225] : memref<204800x128xf32, #tpu.memory_space<hbm>> -> memref<320x128xf32, #tpu.memory_space<hbm>>
    tpu.enqueue_dma source(%arg7 : memref<320x128xf32, #tpu.memory_space<vmem>>) target(%dma_start3A_226 : memref<320x128xf32, #tpu.memory_space<hbm>>) target_semaphore(%arg13 : memref<!tpu.dma_semaphore, #tpu.memory_space<semaphore_mem>>)
    %dma_wait3A_227 = arith.constant 0 : i32
    %dma_wait3A_228 = tpu.memref_slice %arg4[%add3A_222, %dma_wait3A_227] : memref<204800x128xf32, #tpu.memory_space<hbm>> -> memref<320x128xf32, #tpu.memory_space<hbm>>
    %dma_wait3A_229 = arith.constant 0 : i32
    %dma_wait3A_230 = tpu.memref_slice %arg4[%add3A_222, %dma_wait3A_229] : memref<204800x128xf32, #tpu.memory_space<hbm>> -> memref<320x128xf32, #tpu.memory_space<hbm>>
    tpu.wait_dma2 semaphore(%arg13 : memref<!tpu.dma_semaphore, #tpu.memory_space<semaphore_mem>>) src(%arg7 : memref<320x128xf32, #tpu.memory_space<vmem>>) dst(%dma_wait3A_230 : memref<320x128xf32, #tpu.memory_space<hbm>>)
    %dma_start3A_231 = arith.constant 4160 : i32
    %dma_start3A_232 = tpu.memref_slice %arg5[%dma_start3A_231] : memref<6400xi32, #tpu.memory_space<vmem>> -> memref<320xi32, #tpu.memory_space<vmem>>
    %dma_start3A_233 = arith.constant 0 : i32
    %dma_start3A_234 = arith.constant 0 : i32
    %dma_start3A_235 = tpu.memref_slice %arg2[%dma_start3A_233, %dma_start3A_234] : memref<100002x128xf32, #tpu.memory_space<hbm>> -> memref<100002x128xf32, #tpu.memory_space<hbm>>
    tpu.enqueue_indirect_dma source(%dma_start3A_235 : memref<100002x128xf32, #tpu.memory_space<hbm>>) target(%arg7 : memref<320x128xf32, #tpu.memory_space<vmem>>) offsets(%dma_start3A_232 : memref<320xi32, #tpu.memory_space<vmem>>) semaphore(%arg10 : memref<!tpu.dma_semaphore, #tpu.memory_space<semaphore_mem>>)
    %dma_wait3A_236 = arith.constant 3520 : i32
    %dma_wait3A_237 = tpu.memref_slice %arg5[%dma_wait3A_236] : memref<6400xi32, #tpu.memory_space<vmem>> -> memref<320xi32, #tpu.memory_space<vmem>>
    %dma_wait3A_238 = arith.constant 0 : i32
    %dma_wait3A_239 = arith.constant 0 : i32
    %dma_wait3A_240 = tpu.memref_slice %arg2[%dma_wait3A_238, %dma_wait3A_239] : memref<100002x128xf32, #tpu.memory_space<hbm>> -> memref<100002x128xf32, #tpu.memory_space<hbm>>
    tpu.wait_indirect_dma semaphore(%arg11 : memref<!tpu.dma_semaphore, #tpu.memory_space<semaphore_mem>>) src(%dma_wait3A_240 : memref<100002x128xf32, #tpu.memory_space<hbm>>) dst(%arg8 : memref<320x128xf32, #tpu.memory_space<vmem>>)
    %add3A_241 = arith.constant 3520 : i32
    %add3A_242 = arith.addi %mul3A_2, %add3A_241 : i32
    %dma_start3A_243 = arith.constant 0 : i32
    %dma_start3A_244 = tpu.memref_slice %arg4[%add3A_242, %dma_start3A_243] : memref<204800x128xf32, #tpu.memory_space<hbm>> -> memref<320x128xf32, #tpu.memory_space<hbm>>
    %dma_start3A_245 = arith.constant 0 : i32
    %dma_start3A_246 = tpu.memref_slice %arg4[%add3A_242, %dma_start3A_245] : memref<204800x128xf32, #tpu.memory_space<hbm>> -> memref<320x128xf32, #tpu.memory_space<hbm>>
    tpu.enqueue_dma source(%arg8 : memref<320x128xf32, #tpu.memory_space<vmem>>) target(%dma_start3A_246 : memref<320x128xf32, #tpu.memory_space<hbm>>) target_semaphore(%arg14 : memref<!tpu.dma_semaphore, #tpu.memory_space<semaphore_mem>>)
    %dma_wait3A_247 = arith.constant 0 : i32
    %dma_wait3A_248 = tpu.memref_slice %arg4[%add3A_242, %dma_wait3A_247] : memref<204800x128xf32, #tpu.memory_space<hbm>> -> memref<320x128xf32, #tpu.memory_space<hbm>>
    %dma_wait3A_249 = arith.constant 0 : i32
    %dma_wait3A_250 = tpu.memref_slice %arg4[%add3A_242, %dma_wait3A_249] : memref<204800x128xf32, #tpu.memory_space<hbm>> -> memref<320x128xf32, #tpu.memory_space<hbm>>
    tpu.wait_dma2 semaphore(%arg14 : memref<!tpu.dma_semaphore, #tpu.memory_space<semaphore_mem>>) src(%arg8 : memref<320x128xf32, #tpu.memory_space<vmem>>) dst(%dma_wait3A_250 : memref<320x128xf32, #tpu.memory_space<hbm>>)
    %dma_start3A_251 = arith.constant 4480 : i32
    %dma_start3A_252 = tpu.memref_slice %arg5[%dma_start3A_251] : memref<6400xi32, #tpu.memory_space<vmem>> -> memref<320xi32, #tpu.memory_space<vmem>>
    %dma_start3A_253 = arith.constant 0 : i32
    %dma_start3A_254 = arith.constant 0 : i32
    %dma_start3A_255 = tpu.memref_slice %arg2[%dma_start3A_253, %dma_start3A_254] : memref<100002x128xf32, #tpu.memory_space<hbm>> -> memref<100002x128xf32, #tpu.memory_space<hbm>>
    tpu.enqueue_indirect_dma source(%dma_start3A_255 : memref<100002x128xf32, #tpu.memory_space<hbm>>) target(%arg8 : memref<320x128xf32, #tpu.memory_space<vmem>>) offsets(%dma_start3A_252 : memref<320xi32, #tpu.memory_space<vmem>>) semaphore(%arg11 : memref<!tpu.dma_semaphore, #tpu.memory_space<semaphore_mem>>)
    %dma_wait3A_256 = arith.constant 3840 : i32
    %dma_wait3A_257 = tpu.memref_slice %arg5[%dma_wait3A_256] : memref<6400xi32, #tpu.memory_space<vmem>> -> memref<320xi32, #tpu.memory_space<vmem>>
    %dma_wait3A_258 = arith.constant 0 : i32
    %dma_wait3A_259 = arith.constant 0 : i32
    %dma_wait3A_260 = tpu.memref_slice %arg2[%dma_wait3A_258, %dma_wait3A_259] : memref<100002x128xf32, #tpu.memory_space<hbm>> -> memref<100002x128xf32, #tpu.memory_space<hbm>>
    tpu.wait_indirect_dma semaphore(%arg9 : memref<!tpu.dma_semaphore, #tpu.memory_space<semaphore_mem>>) src(%dma_wait3A_260 : memref<100002x128xf32, #tpu.memory_space<hbm>>) dst(%arg6 : memref<320x128xf32, #tpu.memory_space<vmem>>)
    %add3A_261 = arith.constant 3840 : i32
    %add3A_262 = arith.addi %mul3A_2, %add3A_261 : i32
    %dma_start3A_263 = arith.constant 0 : i32
    %dma_start3A_264 = tpu.memref_slice %arg4[%add3A_262, %dma_start3A_263] : memref<204800x128xf32, #tpu.memory_space<hbm>> -> memref<320x128xf32, #tpu.memory_space<hbm>>
    %dma_start3A_265 = arith.constant 0 : i32
    %dma_start3A_266 = tpu.memref_slice %arg4[%add3A_262, %dma_start3A_265] : memref<204800x128xf32, #tpu.memory_space<hbm>> -> memref<320x128xf32, #tpu.memory_space<hbm>>
    tpu.enqueue_dma source(%arg6 : memref<320x128xf32, #tpu.memory_space<vmem>>) target(%dma_start3A_266 : memref<320x128xf32, #tpu.memory_space<hbm>>) target_semaphore(%arg12 : memref<!tpu.dma_semaphore, #tpu.memory_space<semaphore_mem>>)
    %dma_wait3A_267 = arith.constant 0 : i32
    %dma_wait3A_268 = tpu.memref_slice %arg4[%add3A_262, %dma_wait3A_267] : memref<204800x128xf32, #tpu.memory_space<hbm>> -> memref<320x128xf32, #tpu.memory_space<hbm>>
    %dma_wait3A_269 = arith.constant 0 : i32
    %dma_wait3A_270 = tpu.memref_slice %arg4[%add3A_262, %dma_wait3A_269] : memref<204800x128xf32, #tpu.memory_space<hbm>> -> memref<320x128xf32, #tpu.memory_space<hbm>>
    tpu.wait_dma2 semaphore(%arg12 : memref<!tpu.dma_semaphore, #tpu.memory_space<semaphore_mem>>) src(%arg6 : memref<320x128xf32, #tpu.memory_space<vmem>>) dst(%dma_wait3A_270 : memref<320x128xf32, #tpu.memory_space<hbm>>)
    %dma_start3A_271 = arith.constant 4800 : i32
    %dma_start3A_272 = tpu.memref_slice %arg5[%dma_start3A_271] : memref<6400xi32, #tpu.memory_space<vmem>> -> memref<320xi32, #tpu.memory_space<vmem>>
    %dma_start3A_273 = arith.constant 0 : i32
    %dma_start3A_274 = arith.constant 0 : i32
    %dma_start3A_275 = tpu.memref_slice %arg2[%dma_start3A_273, %dma_start3A_274] : memref<100002x128xf32, #tpu.memory_space<hbm>> -> memref<100002x128xf32, #tpu.memory_space<hbm>>
    tpu.enqueue_indirect_dma source(%dma_start3A_275 : memref<100002x128xf32, #tpu.memory_space<hbm>>) target(%arg6 : memref<320x128xf32, #tpu.memory_space<vmem>>) offsets(%dma_start3A_272 : memref<320xi32, #tpu.memory_space<vmem>>) semaphore(%arg9 : memref<!tpu.dma_semaphore, #tpu.memory_space<semaphore_mem>>)
    %dma_wait3A_276 = arith.constant 4160 : i32
    %dma_wait3A_277 = tpu.memref_slice %arg5[%dma_wait3A_276] : memref<6400xi32, #tpu.memory_space<vmem>> -> memref<320xi32, #tpu.memory_space<vmem>>
    %dma_wait3A_278 = arith.constant 0 : i32
    %dma_wait3A_279 = arith.constant 0 : i32
    %dma_wait3A_280 = tpu.memref_slice %arg2[%dma_wait3A_278, %dma_wait3A_279] : memref<100002x128xf32, #tpu.memory_space<hbm>> -> memref<100002x128xf32, #tpu.memory_space<hbm>>
    tpu.wait_indirect_dma semaphore(%arg10 : memref<!tpu.dma_semaphore, #tpu.memory_space<semaphore_mem>>) src(%dma_wait3A_280 : memref<100002x128xf32, #tpu.memory_space<hbm>>) dst(%arg7 : memref<320x128xf32, #tpu.memory_space<vmem>>)
    %add3A_281 = arith.constant 4160 : i32
    %add3A_282 = arith.addi %mul3A_2, %add3A_281 : i32
    %dma_start3A_283 = arith.constant 0 : i32
    %dma_start3A_284 = tpu.memref_slice %arg4[%add3A_282, %dma_start3A_283] : memref<204800x128xf32, #tpu.memory_space<hbm>> -> memref<320x128xf32, #tpu.memory_space<hbm>>
    %dma_start3A_285 = arith.constant 0 : i32
    %dma_start3A_286 = tpu.memref_slice %arg4[%add3A_282, %dma_start3A_285] : memref<204800x128xf32, #tpu.memory_space<hbm>> -> memref<320x128xf32, #tpu.memory_space<hbm>>
    tpu.enqueue_dma source(%arg7 : memref<320x128xf32, #tpu.memory_space<vmem>>) target(%dma_start3A_286 : memref<320x128xf32, #tpu.memory_space<hbm>>) target_semaphore(%arg13 : memref<!tpu.dma_semaphore, #tpu.memory_space<semaphore_mem>>)
    %dma_wait3A_287 = arith.constant 0 : i32
    %dma_wait3A_288 = tpu.memref_slice %arg4[%add3A_282, %dma_wait3A_287] : memref<204800x128xf32, #tpu.memory_space<hbm>> -> memref<320x128xf32, #tpu.memory_space<hbm>>
    %dma_wait3A_289 = arith.constant 0 : i32
    %dma_wait3A_290 = tpu.memref_slice %arg4[%add3A_282, %dma_wait3A_289] : memref<204800x128xf32, #tpu.memory_space<hbm>> -> memref<320x128xf32, #tpu.memory_space<hbm>>
    tpu.wait_dma2 semaphore(%arg13 : memref<!tpu.dma_semaphore, #tpu.memory_space<semaphore_mem>>) src(%arg7 : memref<320x128xf32, #tpu.memory_space<vmem>>) dst(%dma_wait3A_290 : memref<320x128xf32, #tpu.memory_space<hbm>>)
    %dma_start3A_291 = arith.constant 5120 : i32
    %dma_start3A_292 = tpu.memref_slice %arg5[%dma_start3A_291] : memref<6400xi32, #tpu.memory_space<vmem>> -> memref<320xi32, #tpu.memory_space<vmem>>
    %dma_start3A_293 = arith.constant 0 : i32
    %dma_start3A_294 = arith.constant 0 : i32
    %dma_start3A_295 = tpu.memref_slice %arg2[%dma_start3A_293, %dma_start3A_294] : memref<100002x128xf32, #tpu.memory_space<hbm>> -> memref<100002x128xf32, #tpu.memory_space<hbm>>
    tpu.enqueue_indirect_dma source(%dma_start3A_295 : memref<100002x128xf32, #tpu.memory_space<hbm>>) target(%arg7 : memref<320x128xf32, #tpu.memory_space<vmem>>) offsets(%dma_start3A_292 : memref<320xi32, #tpu.memory_space<vmem>>) semaphore(%arg10 : memref<!tpu.dma_semaphore, #tpu.memory_space<semaphore_mem>>)
    %dma_wait3A_296 = arith.constant 4480 : i32
    %dma_wait3A_297 = tpu.memref_slice %arg5[%dma_wait3A_296] : memref<6400xi32, #tpu.memory_space<vmem>> -> memref<320xi32, #tpu.memory_space<vmem>>
    %dma_wait3A_298 = arith.constant 0 : i32
    %dma_wait3A_299 = arith.constant 0 : i32
    %dma_wait3A_300 = tpu.memref_slice %arg2[%dma_wait3A_298, %dma_wait3A_299] : memref<100002x128xf32, #tpu.memory_space<hbm>> -> memref<100002x128xf32, #tpu.memory_space<hbm>>
    tpu.wait_indirect_dma semaphore(%arg11 : memref<!tpu.dma_semaphore, #tpu.memory_space<semaphore_mem>>) src(%dma_wait3A_300 : memref<100002x128xf32, #tpu.memory_space<hbm>>) dst(%arg8 : memref<320x128xf32, #tpu.memory_space<vmem>>)
    %add3A_301 = arith.constant 4480 : i32
    %add3A_302 = arith.addi %mul3A_2, %add3A_301 : i32
    %dma_start3A_303 = arith.constant 0 : i32
    %dma_start3A_304 = tpu.memref_slice %arg4[%add3A_302, %dma_start3A_303] : memref<204800x128xf32, #tpu.memory_space<hbm>> -> memref<320x128xf32, #tpu.memory_space<hbm>>
    %dma_start3A_305 = arith.constant 0 : i32
    %dma_start3A_306 = tpu.memref_slice %arg4[%add3A_302, %dma_start3A_305] : memref<204800x128xf32, #tpu.memory_space<hbm>> -> memref<320x128xf32, #tpu.memory_space<hbm>>
    tpu.enqueue_dma source(%arg8 : memref<320x128xf32, #tpu.memory_space<vmem>>) target(%dma_start3A_306 : memref<320x128xf32, #tpu.memory_space<hbm>>) target_semaphore(%arg14 : memref<!tpu.dma_semaphore, #tpu.memory_space<semaphore_mem>>)
    %dma_wait3A_307 = arith.constant 0 : i32
    %dma_wait3A_308 = tpu.memref_slice %arg4[%add3A_302, %dma_wait3A_307] : memref<204800x128xf32, #tpu.memory_space<hbm>> -> memref<320x128xf32, #tpu.memory_space<hbm>>
    %dma_wait3A_309 = arith.constant 0 : i32
    %dma_wait3A_310 = tpu.memref_slice %arg4[%add3A_302, %dma_wait3A_309] : memref<204800x128xf32, #tpu.memory_space<hbm>> -> memref<320x128xf32, #tpu.memory_space<hbm>>
    tpu.wait_dma2 semaphore(%arg14 : memref<!tpu.dma_semaphore, #tpu.memory_space<semaphore_mem>>) src(%arg8 : memref<320x128xf32, #tpu.memory_space<vmem>>) dst(%dma_wait3A_310 : memref<320x128xf32, #tpu.memory_space<hbm>>)
    %dma_start3A_311 = arith.constant 5440 : i32
    %dma_start3A_312 = tpu.memref_slice %arg5[%dma_start3A_311] : memref<6400xi32, #tpu.memory_space<vmem>> -> memref<320xi32, #tpu.memory_space<vmem>>
    %dma_start3A_313 = arith.constant 0 : i32
    %dma_start3A_314 = arith.constant 0 : i32
    %dma_start3A_315 = tpu.memref_slice %arg2[%dma_start3A_313, %dma_start3A_314] : memref<100002x128xf32, #tpu.memory_space<hbm>> -> memref<100002x128xf32, #tpu.memory_space<hbm>>
    tpu.enqueue_indirect_dma source(%dma_start3A_315 : memref<100002x128xf32, #tpu.memory_space<hbm>>) target(%arg8 : memref<320x128xf32, #tpu.memory_space<vmem>>) offsets(%dma_start3A_312 : memref<320xi32, #tpu.memory_space<vmem>>) semaphore(%arg11 : memref<!tpu.dma_semaphore, #tpu.memory_space<semaphore_mem>>)
    %dma_wait3A_316 = arith.constant 4800 : i32
    %dma_wait3A_317 = tpu.memref_slice %arg5[%dma_wait3A_316] : memref<6400xi32, #tpu.memory_space<vmem>> -> memref<320xi32, #tpu.memory_space<vmem>>
    %dma_wait3A_318 = arith.constant 0 : i32
    %dma_wait3A_319 = arith.constant 0 : i32
    %dma_wait3A_320 = tpu.memref_slice %arg2[%dma_wait3A_318, %dma_wait3A_319] : memref<100002x128xf32, #tpu.memory_space<hbm>> -> memref<100002x128xf32, #tpu.memory_space<hbm>>
    tpu.wait_indirect_dma semaphore(%arg9 : memref<!tpu.dma_semaphore, #tpu.memory_space<semaphore_mem>>) src(%dma_wait3A_320 : memref<100002x128xf32, #tpu.memory_space<hbm>>) dst(%arg6 : memref<320x128xf32, #tpu.memory_space<vmem>>)
    %add3A_321 = arith.constant 4800 : i32
    %add3A_322 = arith.addi %mul3A_2, %add3A_321 : i32
    %dma_start3A_323 = arith.constant 0 : i32
    %dma_start3A_324 = tpu.memref_slice %arg4[%add3A_322, %dma_start3A_323] : memref<204800x128xf32, #tpu.memory_space<hbm>> -> memref<320x128xf32, #tpu.memory_space<hbm>>
    %dma_start3A_325 = arith.constant 0 : i32
    %dma_start3A_326 = tpu.memref_slice %arg4[%add3A_322, %dma_start3A_325] : memref<204800x128xf32, #tpu.memory_space<hbm>> -> memref<320x128xf32, #tpu.memory_space<hbm>>
    tpu.enqueue_dma source(%arg6 : memref<320x128xf32, #tpu.memory_space<vmem>>) target(%dma_start3A_326 : memref<320x128xf32, #tpu.memory_space<hbm>>) target_semaphore(%arg12 : memref<!tpu.dma_semaphore, #tpu.memory_space<semaphore_mem>>)
    %dma_wait3A_327 = arith.constant 0 : i32
    %dma_wait3A_328 = tpu.memref_slice %arg4[%add3A_322, %dma_wait3A_327] : memref<204800x128xf32, #tpu.memory_space<hbm>> -> memref<320x128xf32, #tpu.memory_space<hbm>>
    %dma_wait3A_329 = arith.constant 0 : i32
    %dma_wait3A_330 = tpu.memref_slice %arg4[%add3A_322, %dma_wait3A_329] : memref<204800x128xf32, #tpu.memory_space<hbm>> -> memref<320x128xf32, #tpu.memory_space<hbm>>
    tpu.wait_dma2 semaphore(%arg12 : memref<!tpu.dma_semaphore, #tpu.memory_space<semaphore_mem>>) src(%arg6 : memref<320x128xf32, #tpu.memory_space<vmem>>) dst(%dma_wait3A_330 : memref<320x128xf32, #tpu.memory_space<hbm>>)
    %dma_start3A_331 = arith.constant 5760 : i32
    %dma_start3A_332 = tpu.memref_slice %arg5[%dma_start3A_331] : memref<6400xi32, #tpu.memory_space<vmem>> -> memref<320xi32, #tpu.memory_space<vmem>>
    %dma_start3A_333 = arith.constant 0 : i32
    %dma_start3A_334 = arith.constant 0 : i32
    %dma_start3A_335 = tpu.memref_slice %arg2[%dma_start3A_333, %dma_start3A_334] : memref<100002x128xf32, #tpu.memory_space<hbm>> -> memref<100002x128xf32, #tpu.memory_space<hbm>>
    tpu.enqueue_indirect_dma source(%dma_start3A_335 : memref<100002x128xf32, #tpu.memory_space<hbm>>) target(%arg6 : memref<320x128xf32, #tpu.memory_space<vmem>>) offsets(%dma_start3A_332 : memref<320xi32, #tpu.memory_space<vmem>>) semaphore(%arg9 : memref<!tpu.dma_semaphore, #tpu.memory_space<semaphore_mem>>)
    %dma_wait3A_336 = arith.constant 5120 : i32
    %dma_wait3A_337 = tpu.memref_slice %arg5[%dma_wait3A_336] : memref<6400xi32, #tpu.memory_space<vmem>> -> memref<320xi32, #tpu.memory_space<vmem>>
    %dma_wait3A_338 = arith.constant 0 : i32
    %dma_wait3A_339 = arith.constant 0 : i32
    %dma_wait3A_340 = tpu.memref_slice %arg2[%dma_wait3A_338, %dma_wait3A_339] : memref<100002x128xf32, #tpu.memory_space<hbm>> -> memref<100002x128xf32, #tpu.memory_space<hbm>>
    tpu.wait_indirect_dma semaphore(%arg10 : memref<!tpu.dma_semaphore, #tpu.memory_space<semaphore_mem>>) src(%dma_wait3A_340 : memref<100002x128xf32, #tpu.memory_space<hbm>>) dst(%arg7 : memref<320x128xf32, #tpu.memory_space<vmem>>)
    %add3A_341 = arith.constant 5120 : i32
    %add3A_342 = arith.addi %mul3A_2, %add3A_341 : i32
    %dma_start3A_343 = arith.constant 0 : i32
    %dma_start3A_344 = tpu.memref_slice %arg4[%add3A_342, %dma_start3A_343] : memref<204800x128xf32, #tpu.memory_space<hbm>> -> memref<320x128xf32, #tpu.memory_space<hbm>>
    %dma_start3A_345 = arith.constant 0 : i32
    %dma_start3A_346 = tpu.memref_slice %arg4[%add3A_342, %dma_start3A_345] : memref<204800x128xf32, #tpu.memory_space<hbm>> -> memref<320x128xf32, #tpu.memory_space<hbm>>
    tpu.enqueue_dma source(%arg7 : memref<320x128xf32, #tpu.memory_space<vmem>>) target(%dma_start3A_346 : memref<320x128xf32, #tpu.memory_space<hbm>>) target_semaphore(%arg13 : memref<!tpu.dma_semaphore, #tpu.memory_space<semaphore_mem>>)
    %dma_wait3A_347 = arith.constant 0 : i32
    %dma_wait3A_348 = tpu.memref_slice %arg4[%add3A_342, %dma_wait3A_347] : memref<204800x128xf32, #tpu.memory_space<hbm>> -> memref<320x128xf32, #tpu.memory_space<hbm>>
    %dma_wait3A_349 = arith.constant 0 : i32
    %dma_wait3A_350 = tpu.memref_slice %arg4[%add3A_342, %dma_wait3A_349] : memref<204800x128xf32, #tpu.memory_space<hbm>> -> memref<320x128xf32, #tpu.memory_space<hbm>>
    tpu.wait_dma2 semaphore(%arg13 : memref<!tpu.dma_semaphore, #tpu.memory_space<semaphore_mem>>) src(%arg7 : memref<320x128xf32, #tpu.memory_space<vmem>>) dst(%dma_wait3A_350 : memref<320x128xf32, #tpu.memory_space<hbm>>)
    %dma_start3A_351 = arith.constant 6080 : i32
    %dma_start3A_352 = tpu.memref_slice %arg5[%dma_start3A_351] : memref<6400xi32, #tpu.memory_space<vmem>> -> memref<320xi32, #tpu.memory_space<vmem>>
    %dma_start3A_353 = arith.constant 0 : i32
    %dma_start3A_354 = arith.constant 0 : i32
    %dma_start3A_355 = tpu.memref_slice %arg2[%dma_start3A_353, %dma_start3A_354] : memref<100002x128xf32, #tpu.memory_space<hbm>> -> memref<100002x128xf32, #tpu.memory_space<hbm>>
    tpu.enqueue_indirect_dma source(%dma_start3A_355 : memref<100002x128xf32, #tpu.memory_space<hbm>>) target(%arg7 : memref<320x128xf32, #tpu.memory_space<vmem>>) offsets(%dma_start3A_352 : memref<320xi32, #tpu.memory_space<vmem>>) semaphore(%arg10 : memref<!tpu.dma_semaphore, #tpu.memory_space<semaphore_mem>>)
    %dma_wait3A_356 = arith.constant 5440 : i32
    %dma_wait3A_357 = tpu.memref_slice %arg5[%dma_wait3A_356] : memref<6400xi32, #tpu.memory_space<vmem>> -> memref<320xi32, #tpu.memory_space<vmem>>
    %dma_wait3A_358 = arith.constant 0 : i32
    %dma_wait3A_359 = arith.constant 0 : i32
    %dma_wait3A_360 = tpu.memref_slice %arg2[%dma_wait3A_358, %dma_wait3A_359] : memref<100002x128xf32, #tpu.memory_space<hbm>> -> memref<100002x128xf32, #tpu.memory_space<hbm>>
    tpu.wait_indirect_dma semaphore(%arg11 : memref<!tpu.dma_semaphore, #tpu.memory_space<semaphore_mem>>) src(%dma_wait3A_360 : memref<100002x128xf32, #tpu.memory_space<hbm>>) dst(%arg8 : memref<320x128xf32, #tpu.memory_space<vmem>>)
    %add3A_361 = arith.constant 5440 : i32
    %add3A_362 = arith.addi %mul3A_2, %add3A_361 : i32
    %dma_start3A_363 = arith.constant 0 : i32
    %dma_start3A_364 = tpu.memref_slice %arg4[%add3A_362, %dma_start3A_363] : memref<204800x128xf32, #tpu.memory_space<hbm>> -> memref<320x128xf32, #tpu.memory_space<hbm>>
    %dma_start3A_365 = arith.constant 0 : i32
    %dma_start3A_366 = tpu.memref_slice %arg4[%add3A_362, %dma_start3A_365] : memref<204800x128xf32, #tpu.memory_space<hbm>> -> memref<320x128xf32, #tpu.memory_space<hbm>>
    tpu.enqueue_dma source(%arg8 : memref<320x128xf32, #tpu.memory_space<vmem>>) target(%dma_start3A_366 : memref<320x128xf32, #tpu.memory_space<hbm>>) target_semaphore(%arg14 : memref<!tpu.dma_semaphore, #tpu.memory_space<semaphore_mem>>)
    %dma_wait3A_367 = arith.constant 5760 : i32
    %dma_wait3A_368 = tpu.memref_slice %arg5[%dma_wait3A_367] : memref<6400xi32, #tpu.memory_space<vmem>> -> memref<320xi32, #tpu.memory_space<vmem>>
    %dma_wait3A_369 = arith.constant 0 : i32
    %dma_wait3A_370 = arith.constant 0 : i32
    %dma_wait3A_371 = tpu.memref_slice %arg2[%dma_wait3A_369, %dma_wait3A_370] : memref<100002x128xf32, #tpu.memory_space<hbm>> -> memref<100002x128xf32, #tpu.memory_space<hbm>>
    tpu.wait_indirect_dma semaphore(%arg9 : memref<!tpu.dma_semaphore, #tpu.memory_space<semaphore_mem>>) src(%dma_wait3A_371 : memref<100002x128xf32, #tpu.memory_space<hbm>>) dst(%arg6 : memref<320x128xf32, #tpu.memory_space<vmem>>)
    %add3A_372 = arith.constant 5760 : i32
    %add3A_373 = arith.addi %mul3A_2, %add3A_372 : i32
    %dma_start3A_374 = arith.constant 0 : i32
    %dma_start3A_375 = tpu.memref_slice %arg4[%add3A_373, %dma_start3A_374] : memref<204800x128xf32, #tpu.memory_space<hbm>> -> memref<320x128xf32, #tpu.memory_space<hbm>>
    %dma_start3A_376 = arith.constant 0 : i32
    %dma_start3A_377 = tpu.memref_slice %arg4[%add3A_373, %dma_start3A_376] : memref<204800x128xf32, #tpu.memory_space<hbm>> -> memref<320x128xf32, #tpu.memory_space<hbm>>
    tpu.enqueue_dma source(%arg6 : memref<320x128xf32, #tpu.memory_space<vmem>>) target(%dma_start3A_377 : memref<320x128xf32, #tpu.memory_space<hbm>>) target_semaphore(%arg12 : memref<!tpu.dma_semaphore, #tpu.memory_space<semaphore_mem>>)
    %dma_wait3A_378 = arith.constant 6080 : i32
    %dma_wait3A_379 = tpu.memref_slice %arg5[%dma_wait3A_378] : memref<6400xi32, #tpu.memory_space<vmem>> -> memref<320xi32, #tpu.memory_space<vmem>>
    %dma_wait3A_380 = arith.constant 0 : i32
    %dma_wait3A_381 = arith.constant 0 : i32
    %dma_wait3A_382 = tpu.memref_slice %arg2[%dma_wait3A_380, %dma_wait3A_381] : memref<100002x128xf32, #tpu.memory_space<hbm>> -> memref<100002x128xf32, #tpu.memory_space<hbm>>
    tpu.wait_indirect_dma semaphore(%arg10 : memref<!tpu.dma_semaphore, #tpu.memory_space<semaphore_mem>>) src(%dma_wait3A_382 : memref<100002x128xf32, #tpu.memory_space<hbm>>) dst(%arg7 : memref<320x128xf32, #tpu.memory_space<vmem>>)
    %add3A_383 = arith.constant 6080 : i32
    %add3A_384 = arith.addi %mul3A_2, %add3A_383 : i32
    %dma_start3A_385 = arith.constant 0 : i32
    %dma_start3A_386 = tpu.memref_slice %arg4[%add3A_384, %dma_start3A_385] : memref<204800x128xf32, #tpu.memory_space<hbm>> -> memref<320x128xf32, #tpu.memory_space<hbm>>
    %dma_start3A_387 = arith.constant 0 : i32
    %dma_start3A_388 = tpu.memref_slice %arg4[%add3A_384, %dma_start3A_387] : memref<204800x128xf32, #tpu.memory_space<hbm>> -> memref<320x128xf32, #tpu.memory_space<hbm>>
    tpu.enqueue_dma source(%arg7 : memref<320x128xf32, #tpu.memory_space<vmem>>) target(%dma_start3A_388 : memref<320x128xf32, #tpu.memory_space<hbm>>) target_semaphore(%arg13 : memref<!tpu.dma_semaphore, #tpu.memory_space<semaphore_mem>>)
    %dma_wait3A_389 = arith.constant 0 : i32
    %dma_wait3A_390 = tpu.memref_slice %arg4[%add3A_362, %dma_wait3A_389] : memref<204800x128xf32, #tpu.memory_space<hbm>> -> memref<320x128xf32, #tpu.memory_space<hbm>>
    %dma_wait3A_391 = arith.constant 0 : i32
    %dma_wait3A_392 = tpu.memref_slice %arg4[%add3A_362, %dma_wait3A_391] : memref<204800x128xf32, #tpu.memory_space<hbm>> -> memref<320x128xf32, #tpu.memory_space<hbm>>
    tpu.wait_dma2 semaphore(%arg14 : memref<!tpu.dma_semaphore, #tpu.memory_space<semaphore_mem>>) src(%arg8 : memref<320x128xf32, #tpu.memory_space<vmem>>) dst(%dma_wait3A_392 : memref<320x128xf32, #tpu.memory_space<hbm>>)
    %dma_wait3A_393 = arith.constant 0 : i32
    %dma_wait3A_394 = tpu.memref_slice %arg4[%add3A_373, %dma_wait3A_393] : memref<204800x128xf32, #tpu.memory_space<hbm>> -> memref<320x128xf32, #tpu.memory_space<hbm>>
    %dma_wait3A_395 = arith.constant 0 : i32
    %dma_wait3A_396 = tpu.memref_slice %arg4[%add3A_373, %dma_wait3A_395] : memref<204800x128xf32, #tpu.memory_space<hbm>> -> memref<320x128xf32, #tpu.memory_space<hbm>>
    tpu.wait_dma2 semaphore(%arg12 : memref<!tpu.dma_semaphore, #tpu.memory_space<semaphore_mem>>) src(%arg6 : memref<320x128xf32, #tpu.memory_space<vmem>>) dst(%dma_wait3A_396 : memref<320x128xf32, #tpu.memory_space<hbm>>)
    %dma_wait3A_397 = arith.constant 0 : i32
    %dma_wait3A_398 = tpu.memref_slice %arg4[%add3A_384, %dma_wait3A_397] : memref<204800x128xf32, #tpu.memory_space<hbm>> -> memref<320x128xf32, #tpu.memory_space<hbm>>
    %dma_wait3A_399 = arith.constant 0 : i32
    %dma_wait3A_400 = tpu.memref_slice %arg4[%add3A_384, %dma_wait3A_399] : memref<204800x128xf32, #tpu.memory_space<hbm>> -> memref<320x128xf32, #tpu.memory_space<hbm>>
    tpu.wait_dma2 semaphore(%arg13 : memref<!tpu.dma_semaphore, #tpu.memory_space<semaphore_mem>>) src(%arg7 : memref<320x128xf32, #tpu.memory_space<vmem>>) dst(%dma_wait3A_400 : memref<320x128xf32, #tpu.memory_space<hbm>>)
    return
  }
}

module attributes {stable_mosaic.version = 14 : i64} {
  func.func @_table_body(%arg0: i32, %arg1: memref<4096x16xi32, #tpu.memory_space<vmem>>, %arg2: memref<128x4096xi32, #tpu.memory_space<vmem>>, %arg3: memref<128x1024xbf16, #tpu.memory_space<vmem>>, %arg4: memref<896x256xbf16, #tpu.memory_space<vmem>>, %arg5: memref<128x8xf32, #tpu.memory_space<vmem>>, %arg6: memref<4096x64xf32, #tpu.memory_space<vmem>>, %arg7: memref<4096x128xf32, #tpu.memory_space<vmem>>) attributes {dimension_semantics = [#tpu.dimension_semantics<arbitrary>], iteration_bounds = array<i64: 25>, scalar_prefetch = 0 : i64, scratch_operands = 0 : i64, tpu.core_type = #tpu.core_type<tc>, window_params = [{transform_indices = @transform_0, window_bounds = array<i64: 4096, 16>}, {pipeline_mode = #tpu.pipeline_mode<synchronous>, transform_indices = @transform_1, window_bounds = array<i64: 128, 4096>}, {pipeline_mode = #tpu.pipeline_mode<synchronous>, transform_indices = @transform_2, window_bounds = array<i64: 128, 1024>}, {pipeline_mode = #tpu.pipeline_mode<synchronous>, transform_indices = @transform_3, window_bounds = array<i64: 896, 256>}, {pipeline_mode = #tpu.pipeline_mode<synchronous>, transform_indices = @transform_4, window_bounds = array<i64: 128, 8>}, {transform_indices = @transform_5, window_bounds = array<i64: 4096, 64>}, {transform_indices = @transform_6, window_bounds = array<i64: 4096, 128>}]} {
    %get3A = arith.constant 0 : index
    %get3A_0 = arith.constant 0 : index
    %get3A_1 = vector.load %arg1[%get3A, %get3A_0] : memref<4096x16xi32, #tpu.memory_space<vmem>>, vector<4096x16xi32>
    %transpose3A = tpu.transpose %get3A_1, [1, 0] : vector<4096x16xi32> -> vector<16x4096xi32>
    %broadcast_in_dim3A = vector.shape_cast %transpose3A : vector<16x4096xi32> to vector<16x1x4096xi32>
    %get3A_2 = arith.constant 0 : index
    %get3A_3 = arith.constant 0 : index
    %get3A_4 = vector.load %arg2[%get3A_2, %get3A_3] : memref<128x4096xi32, #tpu.memory_space<vmem>>, vector<128x4096xi32>
    %broadcast_in_dim3A_5 = vector.shape_cast %get3A_4 : vector<128x4096xi32> to vector<1x128x4096xi32>
    %eq3A = vector.broadcast %broadcast_in_dim3A : vector<16x1x4096xi32> to vector<16x128x4096xi32>
    %eq3A_6 = vector.broadcast %broadcast_in_dim3A_5 : vector<1x128x4096xi32> to vector<16x128x4096xi32>
    %eq3A_7 = arith.cmpi eq, %eq3A, %eq3A_6 : vector<16x128x4096xi32>
    %convert_element_type3A = arith.extui %eq3A_7 : vector<16x128x4096xi1> to vector<16x128x4096xi32>
    %convert_element_type3A_8 = arith.sitofp %convert_element_type3A : vector<16x128x4096xi32> to vector<16x128x4096xf32>
    %convert_element_type3A_9 = arith.truncf %convert_element_type3A_8 : vector<16x128x4096xf32> to vector<16x128x4096xbf16>
    %reshape3A = vector.shape_cast %convert_element_type3A_9 : vector<16x128x4096xbf16> to vector<2048x4096xbf16>
    %get3A_10 = arith.constant 0 : index
    %get3A_11 = arith.constant 0 : index
    %get3A_12 = vector.load %arg3[%get3A_10, %get3A_11] : memref<128x1024xbf16, #tpu.memory_space<vmem>>, vector<128x1024xbf16>
    %slice3A = vector.extract_strided_slice %reshape3A {offsets = [0, 0], sizes = [1024, 4096], strides = [1, 1]} : vector<2048x4096xbf16> to vector<1024x4096xbf16>
    %dot_general3A = arith.constant dense<0.000000e+00> : vector<128x4096xf32>
    %dot_general3A_13 = tpu.matmul %get3A_12, %slice3A, %dot_general3A {dimension_numbers = #tpu.dot_dimension_numbers<[1], [0], [0], [1], [0, 0, 1, 1], [], []>, transpose_lhs_hint = false} : vector<128x1024xbf16>, vector<1024x4096xbf16>, vector<128x4096xf32> -> vector<128x4096xf32>
    %get3A_14 = arith.constant 0 : index
    %get3A_15 = arith.constant 0 : index
    %get3A_16 = vector.load %arg3[%get3A_14, %get3A_15] : memref<128x1024xbf16, #tpu.memory_space<vmem>>, vector<128x1024xbf16>
    %slice3A_17 = vector.extract_strided_slice %reshape3A {offsets = [1024, 0], sizes = [1024, 4096], strides = [1, 1]} : vector<2048x4096xbf16> to vector<1024x4096xbf16>
    %dot_general3A_18 = arith.constant dense<0.000000e+00> : vector<128x4096xf32>
    %dot_general3A_19 = tpu.matmul %get3A_16, %slice3A_17, %dot_general3A_18 {dimension_numbers = #tpu.dot_dimension_numbers<[1], [0], [0], [1], [0, 0, 1, 1], [], []>, transpose_lhs_hint = false} : vector<128x1024xbf16>, vector<1024x4096xbf16>, vector<128x4096xf32> -> vector<128x4096xf32>
    %concatenate3A = tpu.concatenate %dot_general3A_13, %dot_general3A_19 in 0 : vector<128x4096xf32>, vector<128x4096xf32> -> vector<256x4096xf32>
    %convert_element_type3A_20 = arith.truncf %concatenate3A : vector<256x4096xf32> to vector<256x4096xbf16>
    %get3A_21 = arith.constant 0 : index
    %get3A_22 = arith.constant 0 : index
    %get3A_23 = vector.load %arg4[%get3A_21, %get3A_22] : memref<896x256xbf16, #tpu.memory_space<vmem>>, vector<896x256xbf16>
    %dot_general3A_24 = arith.constant dense<0.000000e+00> : vector<896x4096xf32>
    %dot_general3A_25 = tpu.matmul %get3A_23, %convert_element_type3A_20, %dot_general3A_24 {dimension_numbers = #tpu.dot_dimension_numbers<[1], [0], [0], [1], [0, 0, 1, 1], [], []>, transpose_lhs_hint = false} : vector<896x256xbf16>, vector<256x4096xbf16>, vector<896x4096xf32> -> vector<896x4096xf32>
    %slice3A_26 = vector.extract_strided_slice %dot_general3A_25 {offsets = [0, 0], sizes = [128, 4096], strides = [1, 1]} : vector<896x4096xf32> to vector<128x4096xf32>
    %slice3A_27 = vector.extract_strided_slice %dot_general3A_25 {offsets = [128, 0], sizes = [128, 4096], strides = [1, 1]} : vector<896x4096xf32> to vector<128x4096xf32>
    %max3A = arith.maximumf %slice3A_26, %slice3A_27 : vector<128x4096xf32>
    %slice3A_28 = vector.extract_strided_slice %dot_general3A_25 {offsets = [256, 0], sizes = [128, 4096], strides = [1, 1]} : vector<896x4096xf32> to vector<128x4096xf32>
    %max3A_29 = arith.maximumf %max3A, %slice3A_28 : vector<128x4096xf32>
    %slice3A_30 = vector.extract_strided_slice %dot_general3A_25 {offsets = [384, 0], sizes = [128, 4096], strides = [1, 1]} : vector<896x4096xf32> to vector<128x4096xf32>
    %max3A_31 = arith.maximumf %max3A_29, %slice3A_30 : vector<128x4096xf32>
    %slice3A_32 = vector.extract_strided_slice %dot_general3A_25 {offsets = [512, 0], sizes = [128, 4096], strides = [1, 1]} : vector<896x4096xf32> to vector<128x4096xf32>
    %max3A_33 = arith.maximumf %max3A_31, %slice3A_32 : vector<128x4096xf32>
    %slice3A_34 = vector.extract_strided_slice %dot_general3A_25 {offsets = [640, 0], sizes = [128, 4096], strides = [1, 1]} : vector<896x4096xf32> to vector<128x4096xf32>
    %max3A_35 = arith.maximumf %max3A_33, %slice3A_34 : vector<128x4096xf32>
    %slice3A_36 = vector.extract_strided_slice %dot_general3A_25 {offsets = [768, 0], sizes = [128, 4096], strides = [1, 1]} : vector<896x4096xf32> to vector<128x4096xf32>
    %max3A_37 = arith.maximumf %max3A_35, %slice3A_36 : vector<128x4096xf32>
    %get3A_38 = arith.constant 0 : index
    %get3A_39 = arith.constant 0 : index
    %get3A_40 = vector.load %arg5[%get3A_38, %get3A_39] : memref<128x8xf32, #tpu.memory_space<vmem>>, vector<128x1xf32>
    %add3A = vector.broadcast %get3A_40 : vector<128x1xf32> to vector<128x4096xf32>
    %add3A_41 = arith.addf %max3A_37, %add3A : vector<128x4096xf32>
    %slice3A_42 = vector.extract_strided_slice %add3A_41 {offsets = [0, 0], sizes = [64, 4096], strides = [1, 1]} : vector<128x4096xf32> to vector<64x4096xf32>
    %slice3A_43 = vector.extract_strided_slice %add3A_41 {offsets = [64, 0], sizes = [64, 4096], strides = [1, 1]} : vector<128x4096xf32> to vector<64x4096xf32>
    %max3A_44 = arith.maximumf %slice3A_42, %slice3A_43 : vector<64x4096xf32>
    %max3A_45 = arith.constant 0.000000e+00 : f32
    %max3A_46 = vector.broadcast %max3A_45 : f32 to vector<64x4096xf32>
    %max3A_47 = arith.maximumf %max3A_44, %max3A_46 : vector<64x4096xf32>
    %transpose3A_48 = tpu.transpose %max3A_47, [1, 0] : vector<64x4096xf32> -> vector<4096x64xf32>
    %get3A_49 = arith.constant 0 : index
    %get3A_50 = arith.constant 0 : index
    %get3A_51 = vector.load %arg6[%get3A_49, %get3A_50] : memref<4096x64xf32, #tpu.memory_space<vmem>>, vector<4096x64xf32>
    %concatenate3A_52 = tpu.concatenate %transpose3A_48, %get3A_51 in 1 : vector<4096x64xf32>, vector<4096x64xf32> -> vector<4096x128xf32>
    %swap3A = arith.constant 0 : index
    %swap3A_53 = arith.constant 0 : index
    %swap3A_54 = vector.load %arg7[%swap3A, %swap3A_53] : memref<4096x128xf32, #tpu.memory_space<vmem>>, vector<4096x128xf32>
    tpu.vector_store %arg7[%swap3A, %swap3A_53], %concatenate3A_52 {strides = array<i32>} : memref<4096x128xf32, #tpu.memory_space<vmem>>, vector<4096x128xf32>,
    return
  }
  func.func @transform_0(%arg0: i32) -> (i32, i32) {
    %c0_i32 = arith.constant 0 : i32
    %c0_i32_0 = arith.constant 0 : i32
    return %arg0, %c0_i32 : i32, i32
  }
  func.func @transform_1(%arg0: i32) -> (i32, i32) {
    %c0_i32 = arith.constant 0 : i32
    %c0_i32_0 = arith.constant 0 : i32
    %c0_i32_1 = arith.constant 0 : i32
    return %c0_i32, %c0_i32_0 : i32, i32
  }
  func.func @transform_2(%arg0: i32) -> (i32, i32) {
    %c0_i32 = arith.constant 0 : i32
    %c0_i32_0 = arith.constant 0 : i32
    %c0_i32_1 = arith.constant 0 : i32
    return %c0_i32, %c0_i32_0 : i32, i32
  }
  func.func @transform_3(%arg0: i32) -> (i32, i32) {
    %c0_i32 = arith.constant 0 : i32
    %c0_i32_0 = arith.constant 0 : i32
    %c0_i32_1 = arith.constant 0 : i32
    return %c0_i32, %c0_i32_0 : i32, i32
  }
  func.func @transform_4(%arg0: i32) -> (i32, i32) {
    %c0_i32 = arith.constant 0 : i32
    %c0_i32_0 = arith.constant 0 : i32
    %c0_i32_1 = arith.constant 0 : i32
    return %c0_i32, %c0_i32_0 : i32, i32
  }
  func.func @transform_5(%arg0: i32) -> (i32, i32) {
    %c0_i32 = arith.constant 0 : i32
    %c0_i32_0 = arith.constant 0 : i32
    return %arg0, %c0_i32 : i32, i32
  }
  func.func @transform_6(%arg0: i32) -> (i32, i32) {
    %c0_i32 = arith.constant 0 : i32
    %c0_i32_0 = arith.constant 0 : i32
    return %arg0, %c0_i32 : i32, i32
  }
}

</mosaic_0001>

<sc_bundles>
// kernel: kernel.4.cloned.1.call-start
scs
__scs_entry_jumppad:
0x0: {  	(pc) =	sbr.rel $0x88, $3  }
0x1: {  	(tag) =	ssettag $0x0;
	lr =	simm.s32 $0x1  }
0x2: {  	[smem:$0x3F9B] =	sst lr;
	_ =	strace $0xD0000000  }
0x3: {  	_ = 	snop  }
0x4: {  	_ = 	snop  }
0x5: {  	_ = 	snop  }
0x6: {  	_ = 	snop  }
0x7: {  	_ = 	snop  }
__scs_overlays_trampoline_lowered:
0x8: {  	[smem:$0x3FAA] =	sst s0  }
0x9: {  	[smem:$0x3FAB] =	sst s1  }
0xa: {  	[smem:$0x3FAC] =	sst s2  }
0xb: {  	[smem:$0x3FAD] =	sst s3  }
0xc: {  	[smem:$0x3FAE] =	sst s4  }
0xd: {  	[smem:$0x3FAF] =	sst s5  }
0xe: {  	[smem:$0x3FB0] =	sst s6  }
0xf: {  	[smem:$0x3FB1] =	sst s7  }
0x10: {  	[smem:$0x3FB2] =	sst s8  }
0x11: {  	[smem:$0x3FB3] =	sst s9;
	s0 =	simm.s32 @!p0 $0x0  }
0x12: {  	s1 =	sld [smem:$0x3F99];
	s0 =	simm.s32 @p0 $0x1  }
0x13: {  	[smem:$0x3FB4] =	sst s0;
	s0 =	simm.s32 @!p1 $0x0  }
0x14: {  	s2 =	sld [smem:$0x3F98];
	s0 =	simm.s32 @p1 $0x1  }
0x15: {  	[smem:$0x3FB5] =	sst s0;
	s0 =	simm.s32 @!p2 $0x0  }
0x16: {  	s3 =	sld [smem:$0x3FDB];
	s0 =	simm.s32 @p2 $0x1  }
0x17: {  	s4 =	simm.s32 $0x1BF5;
	[smem:$0x3FB7] =	sst s0  }
0x18: {  	s0 =	sld [smem:$0x3F9A];
	_ =	swait.ge [sflag:s4], $0x0  }
0x19: {  	s7 =	sld [smem:$0x3F9B]  }
0x1a: {  	s8 =	sadd.s32 $0xFFFFE003, lr  }
0x1b: {  	s9 =	sadd.s32 $0xFFFFFEF7, lr;
	s5 =	simm.s32 $0xFFFFFFFF;
	p2 =	slt.u32 s8, $0xFFFFF086  }
0x1c: {  	p1 =	slt.u32 s9, $0xF7A;
	s5 =	simm.s32 @!p2 $0x0  }
0x1d: {  	s5 =	simm.s32 @p1 $0x1;
	p0 =	seq.s32 s7, s2  }
0x1e: {  	s7 =	smul.u32 @!p0 $0xF7A, s2;
	p2 =	seq.s32 @!p0 s5, $0x0  }
0x1f: {  	s9 =	smul.u32 $0xF7A, s1;
	s8 =	simm.s32 @!p0 $0x1BF5;
	p2 =	por !p2, p0  }
0x20: {  	[sflag:s8] =	ssyncset.s32 @!p0 $0xFFFFF086;
	s6 =	sadd.s32 @!p0 s3, s7;
	s7 =	simm.s32 @!p0 $0x108  }
0x21: {  	s3 =	sadd.s32 s3, s9;
	s6 =	sadd.s32 @!p0 $0x88, s6;
	s7 =	simm.s32 @p2 $0x1082  }
0x22: {  	[simem:s7], [sflag:s8] =	dma.local @!p0 [hbm:s6], $0xF7A  }
0x23: {  	s9 =	sor.u32 $0xD0000000, s2;
	s6 =	simm.s32 $0x108;
	_ =	swait.ge @!p0 [sflag:s8], $0x0  }
0x24: {  	s3 =	sadd.s32 $0x88, s3;
	s6 =	simm.s32 @!p1 $0x1082;
	[sflag:s4] =	ssyncset.s32 $0xFFFFF086  }
0x25: {  	[simem:s6], [sflag:s4] =	dma.local [hbm:s3], $0xF7A  }
0x26: {  	[smem:$0x3F9B] =	sst s1;
	(tag) =	ssettag s2;
	_ =	strace s9  }
0x27: {  	s1 =	sld [smem:$0x3FAB]  }
0x28: {  	s2 =	sld [smem:$0x3FAC]  }
0x29: {  	s4 =	sld [smem:$0x3FAE]  }
0x2a: {  	p0 =	seq.s32 s5, $0x0;
	s5 =	sld [smem:$0x3FAF]  }
0x2b: {  	s6 =	sld [smem:$0x3FB0]  }
0x2c: {  	s7 =	sld [smem:$0x3FB1]  }
0x2d: {  	s3 =	simm.s32 $0x108;
	s8 =	sld [smem:$0x3FB2]  }
0x2e: {  	s3 =	simm.s32 @!p0 $0x1082;
	s9 =	sld [smem:$0x3FB3]  }
0x2f: {  	lr =	sadd.s32 s0, s3;
	s0 =	sld [smem:$0x3FAA]  }
0x30: {  	s3 =	sld [smem:$0x3FAD]  }
0x31: {  	[smem:$0x3FB6] =	sst s10  }
0x32: {  	s10 =	sld [smem:$0x3FB4];
	_ =	sdelay $0x3  }
0x33: {  	p0 =	seq.s32 s10, $0x1;
	s10 =	sld [smem:$0x3FB6];
	_ =	sdelay $0x3  }
0x34: {  	[smem:$0x3FB6] =	sst s10  }
0x35: {  	s10 =	sld [smem:$0x3FB5];
	_ =	sdelay $0x3  }
0x36: {  	p1 =	seq.s32 s10, $0x1;
	s10 =	sld [smem:$0x3FB6];
	_ =	sdelay $0x3  }
0x37: {  	[smem:$0x3FB6] =	sst s10  }
0x38: {  	s10 =	sld [smem:$0x3FB7]  }
0x39: {  	_ = 	snop;
	(pc) =	sbr.ind lr, $3  }
0x3a: {  	_ = 	snop  }
0x3b: {  	_ = 	snop  }
0x3c: {  	p2 =	seq.s32 s10, $0x1;
	s10 =	sld [smem:$0x3FB6]  }
0x3d: {  	_ =	shalt  }
0x3e: {  	_ =	shalt  }
0x3f: {  	_ =	shalt  }
0x40: {  	_ =	shalt  }
0x41: {  	_ =	shalt  }
0x42: {  	_ =	shalt  }
0x43: {  	_ =	shalt  }
0x44: {  	_ =	shalt  }
0x45: {  	_ =	shalt  }
0x46: {  	_ =	shalt  }
0x47: {  	_ =	shalt  }
0x48: {  	_ =	shalt  }
0x49: {  	_ =	shalt  }
0x4a: {  	_ =	shalt  }
0x4b: {  	_ =	shalt  }
0x4c: {  	_ =	shalt  }
0x4d: {  	_ =	shalt  }
0x4e: {  	_ =	shalt  }
0x4f: {  	_ =	shalt  }
0x50: {  	_ =	shalt  }
0x51: {  	_ =	shalt  }
0x52: {  	_ =	shalt  }
0x53: {  	_ =	shalt  }
0x54: {  	_ =	shalt  }
0x55: {  	_ =	shalt  }
0x56: {  	_ =	shalt  }
0x57: {  	_ =	shalt  }
0x58: {  	_ =	shalt  }
0x59: {  	_ =	shalt  }
0x5a: {  	_ =	shalt  }
0x5b: {  	_ =	shalt  }
0x5c: {  	_ =	shalt  }
0x5d: {  	_ =	shalt  }
0x5e: {  	_ =	shalt  }
0x5f: {  	_ =	shalt  }
0x60: {  	_ =	shalt  }
0x61: {  	_ =	shalt  }
0x62: {  	_ =	shalt  }
0x63: {  	_ =	shalt  }
0x64: {  	_ =	shalt  }
0x65: {  	_ =	shalt  }
0x66: {  	_ =	shalt  }
0x67: {  	_ =	shalt  }
0x68: {  	_ =	shalt  }
0x69: {  	_ =	shalt  }
0x6a: {  	_ =	shalt  }
0x6b: {  	_ =	shalt  }
0x6c: {  	_ =	shalt  }
0x6d: {  	_ =	shalt  }
0x6e: {  	_ =	shalt  }
0x6f: {  	_ =	shalt  }
0x70: {  	_ =	shalt  }
0x71: {  	_ =	shalt  }
0x72: {  	_ =	shalt  }
0x73: {  	_ =	shalt  }
0x74: {  	_ =	shalt  }
0x75: {  	_ =	shalt  }
0x76: {  	_ =	shalt  }
0x77: {  	_ =	shalt  }
0x78: {  	_ =	shalt  }
0x79: {  	_ =	shalt  }
0x7a: {  	_ =	shalt  }
0x7b: {  	_ =	shalt  }
0x7c: {  	_ =	shalt  }
0x7d: {  	_ =	shalt  }
0x7e: {  	_ =	shalt  }
0x7f: {  	_ =	shalt  }
0x80: {  	_ =	shalt  }
0x81: {  	_ =	shalt  }
0x82: {  	_ =	shalt  }
0x83: {  	_ =	shalt  }
0x84: {  	_ =	shalt  }
0x85: {  	_ =	shalt  }
0x86: {  	_ =	shalt  }
0x87: {  	_ =	shalt  }
.Lfunc_end0:
.L_simem_size_0:
called_computation_lowered:
.L_overlay_start_0:
0x88: {  	s2 =	sld [smem:$0x3FD9]  }
0x89: {  	s3 =	sld [smem:$0x3FFE];
	_ =	sdelay $0x1  }
0x8a: {  	s1 =	srdreg.scid  }
0x8b: {  	s0 =	sand.u32 $0x1, s1  }
0x8c: {  	s17 =	sshll.u32 s0, $0xA;
	s2 =	sadd.s32 s3, s2  }
0x8d: {  	s2 =	sadd.s32 s2, s17  }
0x8e: {  	[smem:$0x3FC2] =	sst s2  }
0x8f: {  	_ = 	snop  }
0x90: {  	s2 =	sld [smem:$0x3FD0];
	(tm) =	ssettm $0x1  }
0x91: {  	s18 =	sld [smem:$0x3FFB];
	_ =	sdelay $0x3  }
0x92: {  	_ =	strace s18  }
0x93: {  	s3 =	sld [smem:$0x3FFC];
	_ =	sdelay $0x3  }
0x94: {  	_ =	strace s3  }
0x95: {  	s3 =	sld [smem:$0x3FFD];
	_ =	sdelay $0x3  }
0x96: {  	_ =	strace s3  }
0x97: {  	_ =	strace $0x8FFFFFFF  }
0x98: {  	s19 =	sld [smem:$0x3FDB];
	_ =	sdelay $0x1  }
0x99: {  	s4 =	simm.s32 $_scs_section_size  }
0x9a: {  	s5 =	simm.s32 $_size__tile_overlayer_lowered;
	s6 =	simm.s32 $_tile_overlayer_lowered  }
0x9b: {  	s22 =	simm.s32 $0x1BFF;
	s21 =	sshll.u32 s6, $0x1;
	s3 =	sadd.s32 s4, s19  }
0x9c: {  	s7 =	simm.s32 $0x0;
	s20 =	sshll.u32 s5, $0x1;
	s5 =	sadd.s32 s21, s3  }
0x9d: {  	[timem:s7], [sflag:s22] =	dma.local [hbm:s5], s20  }
0x9e: {  	_ =	swait.ge [sflag:s22], s20  }
0x9f: {  	s4 =	ssub.s32 $0x0, s20;
	[sflag:s22] =	ssyncset.done $0x0  }
0xa0: {  	[sflag:s22] =	ssyncadd.s32 s4;
	_ =	sdelay $0x1  }
0xa1: {  	s23 =	simm.s32 $0x1B8B  }
0xa2: {  	_ =	swait.ge [sflag:s23], $0x1  }
0xa3: {  	[sflag:s23] =	ssyncset.done $0x0  }
0xa4: {  	s25 =	simm.s32 $0x1B8E;
	s24 =	sld [smem:$0x3FFE];
	[sflag:s23] =	ssyncadd.s32 $0xFFFFFFFF  }
0xa5: {  	s26 =	simm.s32 $execute0_lowered;
	[smem:$0x3FD2] =	sst s25  }
0xa6: {  	s5 =	sshll.u32 s26, $0x1;
	_ =	strace $0x80000046;
	[dreg:$0x1] =	wrdreg $0xFFFFFFFF  }
0xa7: {  	s28 =	simm.s32 $_size_execute0_lowered;
	s3 =	sadd.s32 s3, s5;
	[dreg:$0x0] =	wrdreg $0x0  }
0xa8: {  	s5 =	sshll.u32 s28, $0x1;
	[dreg:$0x2] =	wrdreg s3  }
0xa9: {  	[dreg:$0x3] =	wrdreg s5  }
0xaa: {  	[dreg:$0x4] =	wrdreg $0xC0  }
0xab: {  	_ =	task [dreg:s7], $0x5FFFF  }
0xac: {  	[dreg:$0x1] =	wrdreg $0xFFFFFFFF  }
0xad: {  	[dreg:$0x0] =	wrdreg $0x60  }
0xae: {  	[dreg:$0x2] =	wrdreg s24  }
0xaf: {  	[dreg:$0x3] =	wrdreg s2  }
0xb0: {  	[dreg:$0x4] =	wrdreg $0x9  }
0xb1: {  	_ =	task.clear_ibuf [dreg:s7], $0x5FFFF;
	_ =	strace $0x90000046  }
0xb2: {  	s29 =	simm.s32 $0x9;
	_ =	strace $0x80000048  }
0xb3: {  	_ =	swait.ge [sflag:s29], $0x1  }
0xb4: {  	[sflag:s29] =	ssyncadd.s32 $0xFFFFFFFF  }
0xb5: {  	_ =	strace $0x90000048  }
0xb6: {  	_ =	sfence  }
0xb7: {  	s30 =	sld [smem:$0x0];
	_ =	sdelay $0x2  }
0xb8: {  	s31 =	sshll.u32 s1, $0xD;
	s1 =	sshrl.u32 s1, $0x2  }
0xb9: {  	s3 =	sand.u32 $0x4000, s31;
	s1 =	sadd.s32 s1, s30  }
0xba: {  	s0 =	sor.u32 s3, s0;
	s1 =	sshll.u32 s1, $0x11  }
0xbb: {  	s0 =	sor.u32 s1, s0  }
0xbc: {  	s0 =	sadd.s32 $0x8F2B, s0  }
0xbd: {  	[sflag:s0] =	ssyncadd.remote.s32 $0x1  }
0xbe: {  	_ =	sfence.sel $0xFFFF  }
0xbf: {  	[dreg:$0x0] =	wrdreg $0xFFFFFFFF;
	(pc) =	sbr.abs _section_cstart, $3  }
0xc0: {  	[dreg:$0x1] =	wrdreg $0xFFFFFFFF  }
0xc1: {  	_ =	task.clear_ibuf [dreg:s7], $0x2FFFF;
	_ =	strace $0x9FFFFFFF  }
0xc2: {  	(tm) =	ssettm $0x7FFFFFFF  }
0xc3: {  	_ =	shalt  }
tec
execute0_lowered:
.L_overlay_start_1:
0x0: {  	(tag) =	ssettag $0x1  }
0x1: {  	s0 =	srdreg.scid;
	s1 =	stileid.u32  }
0x2: {  	s3 =	rddreg [dreg:$0x0];
	s0 =	sand.u32 $0x1, s0;
	s1 =	sshll.u32 s1, $0x1  }
0x3: {  	s4 =	rddreg [dreg:$0x1];
	s1 =	sor.u32 s0, s1  }
0x4: {  	s2 =	simm.s32 $0x0;
	s25 =	simm.s32 $0x280;
	s5 =	smul.u32 $0x320, s1  }
0x5: {  	s26 =	simm.s32 $0x3C0;
	[smem:$0x7FF] =	sst s2;
	s6 =	smul.u32 $0xC8000, s1  }
0x6: {  	_ =	strace $0x80000047;
	[dreg:$0x18] =	wrdreg s25;
	s1 =	smul.u32 $0x19000, s1  }
0x7: {  	[dreg:$0x19] =	wrdreg s26  }
0x8: {  	s5 =	sadd.s32 s5, s3;
	s6 =	sshrl.u32 s6, $0x3;
	s1 =	sadd.s32 s4, s1  }
0x9: {  	s5 =	sadd.s32 $0x189400, s5;
	s4 =	sadd.s32 s4, s6;
	[dreg:$0x4] =	wrdreg s1  }
0xa: {  	[dreg:$0x3] =	wrdreg s5;
	s5 =	sadd.s32 $0x1400, s4  }
0xb: {  	s6 =	sadd.s32 $0x2800, s4;
	[dreg:$0x5] =	wrdreg s5  }
0xc: {  	s7 =	sadd.s32 $0x3C00, s4;
	[dreg:$0x6] =	wrdreg s6  }
0xd: {  	s8 =	sadd.s32 $0x5000, s4;
	[dreg:$0x7] =	wrdreg s7  }
0xe: {  	s9 =	sadd.s32 $0x6400, s4;
	[dreg:$0x8] =	wrdreg s8  }
0xf: {  	s31 =	simm.s32 $0x7;
	s10 =	sadd.s32 $0x7800, s4;
	[dreg:$0x9] =	wrdreg s9  }
0x10: {  	s30 =	simm.s32 $0x500;
	s11 =	sadd.s32 $0x8C00, s4;
	[dreg:$0xa] =	wrdreg s10  }
0x11: {  	s29 =	simm.s32 $0x640;
	s12 =	sadd.s32 $0xA000, s4;
	[dreg:$0xb] =	wrdreg s11  }
0x12: {  	s28 =	simm.s32 $0x780;
	s13 =	sadd.s32 $0xB400, s4;
	[dreg:$0xc] =	wrdreg s12  }
0x13: {  	p0 =	por $0x0, $0x0;
	s14 =	sadd.s32 $0xC800, s4;
	[dreg:$0xd] =	wrdreg s13  }
0x14: {  	s0 =	ssub.s32 $0x2, s0;
	s15 =	sadd.s32 $0xDC00, s4;
	[dreg:$0xe] =	wrdreg s14  }
0x15: {  	s26 =	simm.s32 $0x8C0;
	s16 =	sadd.s32 $0xF000, s4;
	[dreg:$0xf] =	wrdreg s15  }
0x16: {  	s25 =	simm.s32 $0xA00;
	s17 =	sadd.s32 $0x10400, s4;
	[dreg:$0x10] =	wrdreg s16  }
0x17: {  	s23 =	sshrl.u32 s0, $0x1;
	s18 =	sadd.s32 $0x11800, s4;
	[dreg:$0x11] =	wrdreg s17  }
0x18: {  	s0 =	ssub.s32 s0, s23;
	s19 =	sadd.s32 $0x12C00, s4;
	[dreg:$0x12] =	wrdreg s18  }
0x19: {  	s23 =	simm.s32 $0xC80;
	s20 =	sadd.s32 $0x14000, s4;
	[dreg:$0x13] =	wrdreg s19  }
0x1a: {  	s0 =	smax.u32 s0, $0x1;
	s21 =	sadd.s32 $0x15400, s4;
	[dreg:$0x14] =	wrdreg s20  }
0x1b: {  	p1 =	sne.s32 s0, $0x1;
	s22 =	sadd.s32 $0x16800, s4;
	[dreg:$0x15] =	wrdreg s21  }
0x1c: {  	s1 =	sadd.s32 $0xFFFFFFFF, s0;
	s24 =	sadd.s32 $0x17C00, s4;
	[dreg:$0x16] =	wrdreg s22  }
0x1d: {  	s4 =	simm.s32 $0x4;
	s7 =	sadd.s32 $0x18F800, s3;
	[dreg:$0x17] =	wrdreg s24  }
0x1e: {  	s11 =	simm.s32 $0x140;
	s6 =	simm.s32 $0x1900;
	s3 =	simm.s32 $0xB900  }
0x1f: {  	s12 =	simm.s32 $0x15900;
	s10 =	simm.s32 $0x1;
	s8 =	simm.s32 $0x2  }
.Ltmp0:
0x20: {  	s5 =	simm.s32 $0x5;
	s13 =	simm.s32 $0x3;
	(pc) =	sbr.rel @!p1 .LBB2_3-.Ltmp0, $4  }
0x21: {  	s9 =	simm.s32 $0x6;
	s24 =	simm.s32 $0xB40;
	s22 =	simm.s32 $0xDC0  }
0x22: {  	s21 =	simm.s32 $0xF00;
	s20 =	simm.s32 $0x1040;
	s19 =	simm.s32 $0x1180  }
0x23: {  	s18 =	simm.s32 $0x12C0;
	s17 =	simm.s32 $0x1400;
	s16 =	simm.s32 $0x1540  }
0x24: {  	s15 =	simm.s32 $0x1680;
	s14 =	simm.s32 $0x17C0;
	s0 =	rddreg [dreg:$0x3]  }
0x25: {  	[tilespmem:s2], [sflag:$0x7] =	stream.linear.gather [hbm4b:s0+s2], $0x1900, $0x38;
	[tilespmem:$0x1F900] =	vst v63  }
0x26: {  	_ =	swait.ge [sflag:s31], $0x1900  }
0x27: {  	[sflag:s31] =	ssyncset.done $0x0  }
0x28: {  	[sflag:s31] =	ssyncadd.s32 $0xFFFFE700  }
0x29: {  	[tilespmem:s6], [sflag:$0x1] =	stream.indirect.gather [hbm4b:s7+s11], $0x80, s2, s11, $0xb8;
	[tilespmem:$0x1F900] =	vst v63  }
0x2a: {  	_ = 	snop  }
0x2b: {  	[tilespmem:s3], [sflag:$0x2] =	stream.indirect.gather [hbm4b:s7+s11], $0x80, s11, s11, $0xb8;
	[tilespmem:$0x1F900] =	vst v63  }
0x2c: {  	s0 =	rddreg [dreg:$0x18]  }
0x2d: {  	[tilespmem:s12], [sflag:$0x3] =	stream.indirect.gather [hbm4b:s7+s11], $0x80, s0, s11, $0xb8;
	[tilespmem:$0x1F900] =	vst v63  }
0x2e: {  	_ =	swait.ge [sflag:s10], $0xA000  }
0x2f: {  	[sflag:s10] =	ssyncset.done $0x0  }
0x30: {  	s0 =	rddreg [dreg:$0x4];
	[sflag:s10] =	ssyncadd.s32 $0xFFFF6000  }
0x31: {  	[hbm4b:s0+s2] =	stream.linear.scatter [tilespmem:s6], [sflag:$0x4], $0xA000, $0x38;
	[tilespmem:$0x1F900] =	vst v63  }
0x32: {  	_ =	swait.ge [sflag:s4], $0xA000  }
0x33: {  	[sflag:s4] =	ssyncset.done $0x0  }
0x34: {  	s0 =	rddreg [dreg:$0x19];
	[sflag:s4] =	ssyncadd.s32 $0xFFFF6000  }
0x35: {  	[tilespmem:s6], [sflag:$0x1] =	stream.indirect.gather [hbm4b:s7+s11], $0x80, s0, s11, $0xb8;
	[tilespmem:$0x1F900] =	vst v63  }
0x36: {  	_ =	swait.ge [sflag:s8], $0xA000  }
0x37: {  	[sflag:s8] =	ssyncset.done $0x0  }
0x38: {  	s0 =	rddreg [dreg:$0x5];
	[sflag:s8] =	ssyncadd.s32 $0xFFFF6000  }
0x39: {  	[hbm4b:s0+s2] =	stream.linear.scatter [tilespmem:s3], [sflag:$0x5], $0xA000, $0x38;
	[tilespmem:$0x1F900] =	vst v63  }
0x3a: {  	_ =	swait.ge [sflag:s5], $0xA000  }
0x3b: {  	[sflag:s5] =	ssyncset.done $0x0  }
0x3c: {  	[sflag:s5] =	ssyncadd.s32 $0xFFFF6000  }
0x3d: {  	[tilespmem:s3], [sflag:$0x2] =	stream.indirect.gather [hbm4b:s7+s11], $0x80, s30, s11, $0xb8;
	[tilespmem:$0x1F900] =	vst v63  }
0x3e: {  	_ =	swait.ge [sflag:s13], $0xA000  }
0x3f: {  	[sflag:s13] =	ssyncset.done $0x0  }
0x40: {  	s0 =	rddreg [dreg:$0x6];
	[sflag:s13] =	ssyncadd.s32 $0xFFFF6000  }
0x41: {  	[hbm4b:s0+s2] =	stream.linear.scatter [tilespmem:s12], [sflag:$0x6], $0xA000, $0x38;
	[tilespmem:$0x1F900] =	vst v63  }
0x42: {  	_ =	swait.ge [sflag:s9], $0xA000  }
0x43: {  	[sflag:s9] =	ssyncset.done $0x0  }
0x44: {  	[sflag:s9] =	ssyncadd.s32 $0xFFFF6000  }
0x45: {  	[tilespmem:s12], [sflag:$0x3] =	stream.indirect.gather [hbm4b:s7+s11], $0x80, s29, s11, $0xb8;
	[tilespmem:$0x1F900] =	vst v63  }
0x46: {  	_ =	swait.ge [sflag:s10], $0xA000  }
0x47: {  	[sflag:s10] =	ssyncset.done $0x0  }
0x48: {  	s0 =	rddreg [dreg:$0x7];
	[sflag:s10] =	ssyncadd.s32 $0xFFFF6000  }
0x49: {  	[hbm4b:s0+s2] =	stream.linear.scatter [tilespmem:s6], [sflag:$0x4], $0xA000, $0x38;
	[tilespmem:$0x1F900] =	vst v63  }
0x4a: {  	_ =	swait.ge [sflag:s4], $0xA000  }
0x4b: {  	[sflag:s4] =	ssyncset.done $0x0  }
0x4c: {  	[sflag:s4] =	ssyncadd.s32 $0xFFFF6000  }
0x4d: {  	[tilespmem:s6], [sflag:$0x1] =	stream.indirect.gather [hbm4b:s7+s11], $0x80, s28, s11, $0xb8;
	[tilespmem:$0x1F900] =	vst v63  }
0x4e: {  	_ =	swait.ge [sflag:s8], $0xA000  }
0x4f: {  	[sflag:s8] =	ssyncset.done $0x0  }
0x50: {  	s0 =	rddreg [dreg:$0x8];
	[sflag:s8] =	ssyncadd.s32 $0xFFFF6000  }
0x51: {  	[hbm4b:s0+s2] =	stream.linear.scatter [tilespmem:s3], [sflag:$0x5], $0xA000, $0x38;
	[tilespmem:$0x1F900] =	vst v63  }
0x52: {  	_ =	swait.ge [sflag:s5], $0xA000  }
0x53: {  	[sflag:s5] =	ssyncset.done $0x0  }
0x54: {  	[sflag:s5] =	ssyncadd.s32 $0xFFFF6000  }
0x55: {  	[tilespmem:s3], [sflag:$0x2] =	stream.indirect.gather [hbm4b:s7+s11], $0x80, s26, s11, $0xb8;
	[tilespmem:$0x1F900] =	vst v63  }
0x56: {  	_ =	swait.ge [sflag:s13], $0xA000  }
0x57: {  	[sflag:s13] =	ssyncset.done $0x0  }
0x58: {  	s0 =	rddreg [dreg:$0x9];
	[sflag:s13] =	ssyncadd.s32 $0xFFFF6000  }
0x59: {  	[hbm4b:s0+s2] =	stream.linear.scatter [tilespmem:s12], [sflag:$0x6], $0xA000, $0x38;
	[tilespmem:$0x1F900] =	vst v63  }
0x5a: {  	_ =	swait.ge [sflag:s9], $0xA000  }
0x5b: {  	[sflag:s9] =	ssyncset.done $0x0  }
0x5c: {  	[sflag:s9] =	ssyncadd.s32 $0xFFFF6000  }
0x5d: {  	[tilespmem:s12], [sflag:$0x3] =	stream.indirect.gather [hbm4b:s7+s11], $0x80, s25, s11, $0xb8;
	[tilespmem:$0x1F900] =	vst v63  }
0x5e: {  	_ =	swait.ge [sflag:s10], $0xA000  }
0x5f: {  	[sflag:s10] =	ssyncset.done $0x0  }
0x60: {  	s0 =	rddreg [dreg:$0xa];
	[sflag:s10] =	ssyncadd.s32 $0xFFFF6000  }
0x61: {  	[hbm4b:s0+s2] =	stream.linear.scatter [tilespmem:s6], [sflag:$0x4], $0xA000, $0x38;
	[tilespmem:$0x1F900] =	vst v63  }
0x62: {  	_ =	swait.ge [sflag:s4], $0xA000  }
0x63: {  	[sflag:s4] =	ssyncset.done $0x0  }
0x64: {  	[sflag:s4] =	ssyncadd.s32 $0xFFFF6000  }
0x65: {  	[tilespmem:s6], [sflag:$0x1] =	stream.indirect.gather [hbm4b:s7+s11], $0x80, s24, s11, $0xb8;
	[tilespmem:$0x1F900] =	vst v63  }
0x66: {  	_ =	swait.ge [sflag:s8], $0xA000  }
0x67: {  	[sflag:s8] =	ssyncset.done $0x0  }
0x68: {  	s0 =	rddreg [dreg:$0xb];
	[sflag:s8] =	ssyncadd.s32 $0xFFFF6000  }
0x69: {  	[hbm4b:s0+s2] =	stream.linear.scatter [tilespmem:s3], [sflag:$0x5], $0xA000, $0x38;
	[tilespmem:$0x1F900] =	vst v63  }
0x6a: {  	_ =	swait.ge [sflag:s5], $0xA000  }
0x6b: {  	[sflag:s5] =	ssyncset.done $0x0  }
0x6c: {  	[sflag:s5] =	ssyncadd.s32 $0xFFFF6000  }
0x6d: {  	[tilespmem:s3], [sflag:$0x2] =	stream.indirect.gather [hbm4b:s7+s11], $0x80, s23, s11, $0xb8;
	[tilespmem:$0x1F900] =	vst v63  }
0x6e: {  	_ =	swait.ge [sflag:s13], $0xA000  }
0x6f: {  	[sflag:s13] =	ssyncset.done $0x0  }
0x70: {  	s0 =	rddreg [dreg:$0xc];
	[sflag:s13] =	ssyncadd.s32 $0xFFFF6000  }
0x71: {  	[hbm4b:s0+s2] =	stream.linear.scatter [tilespmem:s12], [sflag:$0x6], $0xA000, $0x38;
	[tilespmem:$0x1F900] =	vst v63  }
0x72: {  	_ =	swait.ge [sflag:s9], $0xA000  }
0x73: {  	[sflag:s9] =	ssyncset.done $0x0  }
0x74: {  	[sflag:s9] =	ssyncadd.s32 $0xFFFF6000  }
0x75: {  	[tilespmem:s12], [sflag:$0x3] =	stream.indirect.gather [hbm4b:s7+s11], $0x80, s22, s11, $0xb8;
	[tilespmem:$0x1F900] =	vst v63  }
0x76: {  	_ =	swait.ge [sflag:s10], $0xA000  }
0x77: {  	[sflag:s10] =	ssyncset.done $0x0  }
0x78: {  	s0 =	rddreg [dreg:$0xd];
	[sflag:s10] =	ssyncadd.s32 $0xFFFF6000  }
0x79: {  	[hbm4b:s0+s2] =	stream.linear.scatter [tilespmem:s6], [sflag:$0x4], $0xA000, $0x38;
	[tilespmem:$0x1F900] =	vst v63  }
0x7a: {  	_ =	swait.ge [sflag:s4], $0xA000  }
0x7b: {  	[sflag:s4] =	ssyncset.done $0x0  }
0x7c: {  	[sflag:s4] =	ssyncadd.s32 $0xFFFF6000  }
0x7d: {  	[tilespmem:s6], [sflag:$0x1] =	stream.indirect.gather [hbm4b:s7+s11], $0x80, s21, s11, $0xb8;
	[tilespmem:$0x1F900] =	vst v63  }
0x7e: {  	_ =	swait.ge [sflag:s8], $0xA000  }
0x7f: {  	[sflag:s8] =	ssyncset.done $0x0  }
0x80: {  	s0 =	rddreg [dreg:$0xe];
	[sflag:s8] =	ssyncadd.s32 $0xFFFF6000  }
0x81: {  	[hbm4b:s0+s2] =	stream.linear.scatter [tilespmem:s3], [sflag:$0x5], $0xA000, $0x38;
	[tilespmem:$0x1F900] =	vst v63  }
0x82: {  	_ =	swait.ge [sflag:s5], $0xA000  }
0x83: {  	[sflag:s5] =	ssyncset.done $0x0  }
0x84: {  	[sflag:s5] =	ssyncadd.s32 $0xFFFF6000  }
0x85: {  	[tilespmem:s3], [sflag:$0x2] =	stream.indirect.gather [hbm4b:s7+s11], $0x80, s20, s11, $0xb8;
	[tilespmem:$0x1F900] =	vst v63  }
0x86: {  	_ =	swait.ge [sflag:s13], $0xA000  }
0x87: {  	[sflag:s13] =	ssyncset.done $0x0  }
0x88: {  	s0 =	rddreg [dreg:$0xf];
	[sflag:s13] =	ssyncadd.s32 $0xFFFF6000  }
0x89: {  	[hbm4b:s0+s2] =	stream.linear.scatter [tilespmem:s12], [sflag:$0x6], $0xA000, $0x38;
	[tilespmem:$0x1F900] =	vst v63  }
0x8a: {  	_ =	swait.ge [sflag:s9], $0xA000  }
0x8b: {  	[sflag:s9] =	ssyncset.done $0x0  }
0x8c: {  	[sflag:s9] =	ssyncadd.s32 $0xFFFF6000  }
0x8d: {  	[tilespmem:s12], [sflag:$0x3] =	stream.indirect.gather [hbm4b:s7+s11], $0x80, s19, s11, $0xb8;
	[tilespmem:$0x1F900] =	vst v63  }
0x8e: {  	_ =	swait.ge [sflag:s10], $0xA000  }
0x8f: {  	[sflag:s10] =	ssyncset.done $0x0  }
0x90: {  	s0 =	rddreg [dreg:$0x10];
	[sflag:s10] =	ssyncadd.s32 $0xFFFF6000  }
0x91: {  	[hbm4b:s0+s2] =	stream.linear.scatter [tilespmem:s6], [sflag:$0x4], $0xA000, $0x38;
	[tilespmem:$0x1F900] =	vst v63  }
0x92: {  	_ =	swait.ge [sflag:s4], $0xA000  }
0x93: {  	[sflag:s4] =	ssyncset.done $0x0  }
0x94: {  	[sflag:s4] =	ssyncadd.s32 $0xFFFF6000  }
0x95: {  	[tilespmem:s6], [sflag:$0x1] =	stream.indirect.gather [hbm4b:s7+s11], $0x80, s18, s11, $0xb8;
	[tilespmem:$0x1F900] =	vst v63  }
0x96: {  	_ =	swait.ge [sflag:s8], $0xA000  }
0x97: {  	[sflag:s8] =	ssyncset.done $0x0  }
0x98: {  	s0 =	rddreg [dreg:$0x11];
	[sflag:s8] =	ssyncadd.s32 $0xFFFF6000  }
0x99: {  	[hbm4b:s0+s2] =	stream.linear.scatter [tilespmem:s3], [sflag:$0x5], $0xA000, $0x38;
	[tilespmem:$0x1F900] =	vst v63  }
0x9a: {  	_ =	swait.ge [sflag:s5], $0xA000  }
0x9b: {  	[sflag:s5] =	ssyncset.done $0x0  }
0x9c: {  	[sflag:s5] =	ssyncadd.s32 $0xFFFF6000  }
0x9d: {  	[tilespmem:s3], [sflag:$0x2] =	stream.indirect.gather [hbm4b:s7+s11], $0x80, s17, s11, $0xb8;
	[tilespmem:$0x1F900] =	vst v63  }
0x9e: {  	_ =	swait.ge [sflag:s13], $0xA000  }
0x9f: {  	[sflag:s13] =	ssyncset.done $0x0  }
0xa0: {  	s0 =	rddreg [dreg:$0x12];
	[sflag:s13] =	ssyncadd.s32 $0xFFFF6000  }
0xa1: {  	[hbm4b:s0+s2] =	stream.linear.scatter [tilespmem:s12], [sflag:$0x6], $0xA000, $0x38;
	[tilespmem:$0x1F900] =	vst v63  }
0xa2: {  	_ =	swait.ge [sflag:s9], $0xA000  }
0xa3: {  	[sflag:s9] =	ssyncset.done $0x0  }
0xa4: {  	[sflag:s9] =	ssyncadd.s32 $0xFFFF6000  }
0xa5: {  	[tilespmem:s12], [sflag:$0x3] =	stream.indirect.gather [hbm4b:s7+s11], $0x80, s16, s11, $0xb8;
	[tilespmem:$0x1F900] =	vst v63  }
0xa6: {  	_ =	swait.ge [sflag:s10], $0xA000  }
0xa7: {  	[sflag:s10] =	ssyncset.done $0x0  }
0xa8: {  	s0 =	rddreg [dreg:$0x13];
	[sflag:s10] =	ssyncadd.s32 $0xFFFF6000  }
0xa9: {  	[hbm4b:s0+s2] =	stream.linear.scatter [tilespmem:s6], [sflag:$0x4], $0xA000, $0x38;
	[tilespmem:$0x1F900] =	vst v63  }
0xaa: {  	_ =	swait.ge [sflag:s4], $0xA000  }
0xab: {  	[sflag:s4] =	ssyncset.done $0x0  }
0xac: {  	[sflag:s4] =	ssyncadd.s32 $0xFFFF6000  }
0xad: {  	[tilespmem:s6], [sflag:$0x1] =	stream.indirect.gather [hbm4b:s7+s11], $0x80, s15, s11, $0xb8;
	[tilespmem:$0x1F900] =	vst v63  }
0xae: {  	_ =	swait.ge [sflag:s8], $0xA000  }
0xaf: {  	[sflag:s8] =	ssyncset.done $0x0  }
0xb0: {  	s0 =	rddreg [dreg:$0x14];
	[sflag:s8] =	ssyncadd.s32 $0xFFFF6000  }
0xb1: {  	[hbm4b:s0+s2] =	stream.linear.scatter [tilespmem:s3], [sflag:$0x5], $0xA000, $0x38;
	[tilespmem:$0x1F900] =	vst v63  }
0xb2: {  	_ =	swait.ge [sflag:s5], $0xA000  }
0xb3: {  	[sflag:s5] =	ssyncset.done $0x0  }
0xb4: {  	[sflag:s5] =	ssyncadd.s32 $0xFFFF6000  }
0xb5: {  	[tilespmem:s3], [sflag:$0x2] =	stream.indirect.gather [hbm4b:s7+s11], $0x80, s14, s11, $0xb8;
	[tilespmem:$0x1F900] =	vst v63  }
0xb6: {  	_ =	swait.ge [sflag:s13], $0xA000  }
0xb7: {  	[sflag:s13] =	ssyncset.done $0x0  }
0xb8: {  	s0 =	rddreg [dreg:$0x15];
	[sflag:s13] =	ssyncadd.s32 $0xFFFF6000  }
0xb9: {  	[hbm4b:s0+s2] =	stream.linear.scatter [tilespmem:s12], [sflag:$0x6], $0xA000, $0x38;
	[tilespmem:$0x1F900] =	vst v63  }
0xba: {  	_ =	swait.ge [sflag:s10], $0xA000  }
0xbb: {  	[sflag:s10] =	ssyncset.done $0x0  }
0xbc: {  	s0 =	rddreg [dreg:$0x16];
	[sflag:s10] =	ssyncadd.s32 $0xFFFF6000  }
0xbd: {  	[hbm4b:s0+s2] =	stream.linear.scatter [tilespmem:s6], [sflag:$0x4], $0xA000, $0x38;
	[tilespmem:$0x1F900] =	vst v63  }
0xbe: {  	_ =	swait.ge [sflag:s8], $0xA000  }
0xbf: {  	[sflag:s8] =	ssyncset.done $0x0  }
0xc0: {  	s0 =	rddreg [dreg:$0x17];
	[sflag:s8] =	ssyncadd.s32 $0xFFFF6000  }
0xc1: {  	[hbm4b:s0+s2] =	stream.linear.scatter [tilespmem:s3], [sflag:$0x5], $0xA000, $0x38;
	[tilespmem:$0x1F900] =	vst v63  }
0xc2: {  	_ =	swait.ge [sflag:s9], $0xA000  }
0xc3: {  	[sflag:s9] =	ssyncset.done $0x0  }
0xc4: {  	p1 =	sne.s32 s1, $0x1;
	[sflag:s9] =	ssyncadd.s32 $0xFFFF6000  }
.Ltmp1:
0xc5: {  	_ =	swait.ge [sflag:s4], $0xA000;
	(pc) =	sbr.rel @!p1 .LBB2_3-.Ltmp1, $4  }
0xc6: {  	[sflag:s4] =	ssyncset.done $0x0  }
0xc7: {  	[sflag:s4] =	ssyncadd.s32 $0xFFFF6000  }
0xc8: {  	s1 =	sadd.s32 $0xFFFFFFFF, s1;
	_ =	swait.ge [sflag:s5], $0xA000  }
0xc9: {  	p0 =	por $0x1, $0x1;
	s0 =	rddreg [dreg:$0x3];
	[sflag:s5] =	ssyncset.done $0x0  }
.LBB2_2:
0xca: {  	[sflag:s5] =	ssyncadd.s32 $0xFFFF6000  }
0xcb: {  	[tilespmem:s2], [sflag:$0x7] =	stream.linear.gather [hbm4b:s0+s2], $0x1900, $0x38;
	[tilespmem:$0x1F900] =	vst v63  }
0xcc: {  	_ =	swait.ge [sflag:s31], $0x1900  }
0xcd: {  	[sflag:s31] =	ssyncset.done $0x0  }
0xce: {  	[sflag:s31] =	ssyncadd.s32 $0xFFFFE700  }
0xcf: {  	[tilespmem:s6], [sflag:$0x1] =	stream.indirect.gather [hbm4b:s7+s11], $0x80, s2, s11, $0xb8;
	[tilespmem:$0x1F900] =	vst v63  }
0xd0: {  	_ = 	snop  }
0xd1: {  	[tilespmem:s3], [sflag:$0x2] =	stream.indirect.gather [hbm4b:s7+s11], $0x80, s11, s11, $0xb8;
	[tilespmem:$0x1F900] =	vst v63  }
0xd2: {  	s0 =	rddreg [dreg:$0x18]  }
0xd3: {  	[tilespmem:s12], [sflag:$0x3] =	stream.indirect.gather [hbm4b:s7+s11], $0x80, s0, s11, $0xb8;
	[tilespmem:$0x1F900] =	vst v63  }
0xd4: {  	_ =	swait.ge [sflag:s10], $0xA000  }
0xd5: {  	[sflag:s10] =	ssyncset.done $0x0  }
0xd6: {  	s0 =	rddreg [dreg:$0x4];
	[sflag:s10] =	ssyncadd.s32 $0xFFFF6000  }
0xd7: {  	[hbm4b:s0+s2] =	stream.linear.scatter [tilespmem:s6], [sflag:$0x4], $0xA000, $0x38;
	[tilespmem:$0x1F900] =	vst v63  }
0xd8: {  	_ =	swait.ge [sflag:s4], $0xA000  }
0xd9: {  	[sflag:s4] =	ssyncset.done $0x0  }
0xda: {  	s0 =	rddreg [dreg:$0x19];
	[sflag:s4] =	ssyncadd.s32 $0xFFFF6000  }
0xdb: {  	[tilespmem:s6], [sflag:$0x1] =	stream.indirect.gather [hbm4b:s7+s11], $0x80, s0, s11, $0xb8;
	[tilespmem:$0x1F900] =	vst v63  }
0xdc: {  	_ =	swait.ge [sflag:s8], $0xA000  }
0xdd: {  	[sflag:s8] =	ssyncset.done $0x0  }
0xde: {  	s0 =	rddreg [dreg:$0x5];
	[sflag:s8] =	ssyncadd.s32 $0xFFFF6000  }
0xdf: {  	[hbm4b:s0+s2] =	stream.linear.scatter [tilespmem:s3], [sflag:$0x5], $0xA000, $0x38;
	[tilespmem:$0x1F900] =	vst v63  }
0xe0: {  	_ =	swait.ge [sflag:s5], $0xA000  }
0xe1: {  	[sflag:s5] =	ssyncset.done $0x0  }
0xe2: {  	[sflag:s5] =	ssyncadd.s32 $0xFFFF6000  }
0xe3: {  	[tilespmem:s3], [sflag:$0x2] =	stream.indirect.gather [hbm4b:s7+s11], $0x80, s30, s11, $0xb8;
	[tilespmem:$0x1F900] =	vst v63  }
0xe4: {  	_ =	swait.ge [sflag:s13], $0xA000  }
0xe5: {  	[sflag:s13] =	ssyncset.done $0x0  }
0xe6: {  	s0 =	rddreg [dreg:$0x6];
	[sflag:s13] =	ssyncadd.s32 $0xFFFF6000  }
0xe7: {  	[hbm4b:s0+s2] =	stream.linear.scatter [tilespmem:s12], [sflag:$0x6], $0xA000, $0x38;
	[tilespmem:$0x1F900] =	vst v63  }
0xe8: {  	_ =	swait.ge [sflag:s9], $0xA000  }
0xe9: {  	[sflag:s9] =	ssyncset.done $0x0  }
0xea: {  	[sflag:s9] =	ssyncadd.s32 $0xFFFF6000  }
0xeb: {  	[tilespmem:s12], [sflag:$0x3] =	stream.indirect.gather [hbm4b:s7+s11], $0x80, s29, s11, $0xb8;
	[tilespmem:$0x1F900] =	vst v63  }
0xec: {  	_ =	swait.ge [sflag:s10], $0xA000  }
0xed: {  	[sflag:s10] =	ssyncset.done $0x0  }
0xee: {  	s0 =	rddreg [dreg:$0x7];
	[sflag:s10] =	ssyncadd.s32 $0xFFFF6000  }
0xef: {  	[hbm4b:s0+s2] =	stream.linear.scatter [tilespmem:s6], [sflag:$0x4], $0xA000, $0x38;
	[tilespmem:$0x1F900] =	vst v63  }
0xf0: {  	_ =	swait.ge [sflag:s4], $0xA000  }
0xf1: {  	[sflag:s4] =	ssyncset.done $0x0  }
0xf2: {  	[sflag:s4] =	ssyncadd.s32 $0xFFFF6000  }
0xf3: {  	[tilespmem:s6], [sflag:$0x1] =	stream.indirect.gather [hbm4b:s7+s11], $0x80, s28, s11, $0xb8;
	[tilespmem:$0x1F900] =	vst v63  }
0xf4: {  	_ =	swait.ge [sflag:s8], $0xA000  }
0xf5: {  	[sflag:s8] =	ssyncset.done $0x0  }
0xf6: {  	s0 =	rddreg [dreg:$0x8];
	[sflag:s8] =	ssyncadd.s32 $0xFFFF6000  }
0xf7: {  	[hbm4b:s0+s2] =	stream.linear.scatter [tilespmem:s3], [sflag:$0x5], $0xA000, $0x38;
	[tilespmem:$0x1F900] =	vst v63  }
0xf8: {  	_ =	swait.ge [sflag:s5], $0xA000  }
0xf9: {  	[sflag:s5] =	ssyncset.done $0x0  }
0xfa: {  	[sflag:s5] =	ssyncadd.s32 $0xFFFF6000  }
0xfb: {  	[tilespmem:s3], [sflag:$0x2] =	stream.indirect.gather [hbm4b:s7+s11], $0x80, s26, s11, $0xb8;
	[tilespmem:$0x1F900] =	vst v63  }
0xfc: {  	_ =	swait.ge [sflag:s13], $0xA000  }
0xfd: {  	[sflag:s13] =	ssyncset.done $0x0  }
0xfe: {  	s0 =	rddreg [dreg:$0x9];
	[sflag:s13] =	ssyncadd.s32 $0xFFFF6000  }
0xff: {  	[hbm4b:s0+s2] =	stream.linear.scatter [tilespmem:s12], [sflag:$0x6], $0xA000, $0x38;
	[tilespmem:$0x1F900] =	vst v63  }
0x100: {  	_ =	swait.ge [sflag:s9], $0xA000  }
0x101: {  	[sflag:s9] =	ssyncset.done $0x0  }
0x102: {  	[sflag:s9] =	ssyncadd.s32 $0xFFFF6000  }
0x103: {  	[tilespmem:s12], [sflag:$0x3] =	stream.indirect.gather [hbm4b:s7+s11], $0x80, s25, s11, $0xb8;
	[tilespmem:$0x1F900] =	vst v63  }
0x104: {  	_ =	swait.ge [sflag:s10], $0xA000  }
0x105: {  	[sflag:s10] =	ssyncset.done $0x0  }
0x106: {  	s0 =	rddreg [dreg:$0xa];
	[sflag:s10] =	ssyncadd.s32 $0xFFFF6000  }
0x107: {  	[hbm4b:s0+s2] =	stream.linear.scatter [tilespmem:s6], [sflag:$0x4], $0xA000, $0x38;
	[tilespmem:$0x1F900] =	vst v63  }
0x108: {  	_ =	swait.ge [sflag:s4], $0xA000  }
0x109: {  	[sflag:s4] =	ssyncset.done $0x0  }
0x10a: {  	[sflag:s4] =	ssyncadd.s32 $0xFFFF6000  }
0x10b: {  	[tilespmem:s6], [sflag:$0x1] =	stream.indirect.gather [hbm4b:s7+s11], $0x80, s24, s11, $0xb8;
	[tilespmem:$0x1F900] =	vst v63  }
0x10c: {  	_ =	swait.ge [sflag:s8], $0xA000  }
0x10d: {  	[sflag:s8] =	ssyncset.done $0x0  }
0x10e: {  	s0 =	rddreg [dreg:$0xb];
	[sflag:s8] =	ssyncadd.s32 $0xFFFF6000  }
0x10f: {  	[hbm4b:s0+s2] =	stream.linear.scatter [tilespmem:s3], [sflag:$0x5], $0xA000, $0x38;
	[tilespmem:$0x1F900] =	vst v63  }
0x110: {  	_ =	swait.ge [sflag:s5], $0xA000  }
0x111: {  	[sflag:s5] =	ssyncset.done $0x0  }
0x112: {  	[sflag:s5] =	ssyncadd.s32 $0xFFFF6000  }
0x113: {  	[tilespmem:s3], [sflag:$0x2] =	stream.indirect.gather [hbm4b:s7+s11], $0x80, s23, s11, $0xb8;
	[tilespmem:$0x1F900] =	vst v63  }
0x114: {  	_ =	swait.ge [sflag:s13], $0xA000  }
0x115: {  	[sflag:s13] =	ssyncset.done $0x0  }
0x116: {  	s0 =	rddreg [dreg:$0xc];
	[sflag:s13] =	ssyncadd.s32 $0xFFFF6000  }
0x117: {  	[hbm4b:s0+s2] =	stream.linear.scatter [tilespmem:s12], [sflag:$0x6], $0xA000, $0x38;
	[tilespmem:$0x1F900] =	vst v63  }
0x118: {  	_ =	swait.ge [sflag:s9], $0xA000  }
0x119: {  	[sflag:s9] =	ssyncset.done $0x0  }
0x11a: {  	[sflag:s9] =	ssyncadd.s32 $0xFFFF6000  }
0x11b: {  	[tilespmem:s12], [sflag:$0x3] =	stream.indirect.gather [hbm4b:s7+s11], $0x80, s22, s11, $0xb8;
	[tilespmem:$0x1F900] =	vst v63  }
0x11c: {  	_ =	swait.ge [sflag:s10], $0xA000  }
0x11d: {  	[sflag:s10] =	ssyncset.done $0x0  }
0x11e: {  	s0 =	rddreg [dreg:$0xd];
	[sflag:s10] =	ssyncadd.s32 $0xFFFF6000  }
0x11f: {  	[hbm4b:s0+s2] =	stream.linear.scatter [tilespmem:s6], [sflag:$0x4], $0xA000, $0x38;
	[tilespmem:$0x1F900] =	vst v63  }
0x120: {  	_ =	swait.ge [sflag:s4], $0xA000  }
0x121: {  	[sflag:s4] =	ssyncset.done $0x0  }
0x122: {  	[sflag:s4] =	ssyncadd.s32 $0xFFFF6000  }
0x123: {  	[tilespmem:s6], [sflag:$0x1] =	stream.indirect.gather [hbm4b:s7+s11], $0x80, s21, s11, $0xb8;
	[tilespmem:$0x1F900] =	vst v63  }
0x124: {  	_ =	swait.ge [sflag:s8], $0xA000  }
0x125: {  	[sflag:s8] =	ssyncset.done $0x0  }
0x126: {  	s0 =	rddreg [dreg:$0xe];
	[sflag:s8] =	ssyncadd.s32 $0xFFFF6000  }
0x127: {  	[hbm4b:s0+s2] =	stream.linear.scatter [tilespmem:s3], [sflag:$0x5], $0xA000, $0x38;
	[tilespmem:$0x1F900] =	vst v63  }
0x128: {  	_ =	swait.ge [sflag:s5], $0xA000  }
0x129: {  	[sflag:s5] =	ssyncset.done $0x0  }
0x12a: {  	[sflag:s5] =	ssyncadd.s32 $0xFFFF6000  }
0x12b: {  	[tilespmem:s3], [sflag:$0x2] =	stream.indirect.gather [hbm4b:s7+s11], $0x80, s20, s11, $0xb8;
	[tilespmem:$0x1F900] =	vst v63  }
0x12c: {  	_ =	swait.ge [sflag:s13], $0xA000  }
0x12d: {  	[sflag:s13] =	ssyncset.done $0x0  }
0x12e: {  	s0 =	rddreg [dreg:$0xf];
	[sflag:s13] =	ssyncadd.s32 $0xFFFF6000  }
0x12f: {  	[hbm4b:s0+s2] =	stream.linear.scatter [tilespmem:s12], [sflag:$0x6], $0xA000, $0x38;
	[tilespmem:$0x1F900] =	vst v63  }
0x130: {  	_ =	swait.ge [sflag:s9], $0xA000  }
0x131: {  	[sflag:s9] =	ssyncset.done $0x0  }
0x132: {  	[sflag:s9] =	ssyncadd.s32 $0xFFFF6000  }
0x133: {  	[tilespmem:s12], [sflag:$0x3] =	stream.indirect.gather [hbm4b:s7+s11], $0x80, s19, s11, $0xb8;
	[tilespmem:$0x1F900] =	vst v63  }
0x134: {  	_ =	swait.ge [sflag:s10], $0xA000  }
0x135: {  	[sflag:s10] =	ssyncset.done $0x0  }
0x136: {  	s0 =	rddreg [dreg:$0x10];
	[sflag:s10] =	ssyncadd.s32 $0xFFFF6000  }
0x137: {  	[hbm4b:s0+s2] =	stream.linear.scatter [tilespmem:s6], [sflag:$0x4], $0xA000, $0x38;
	[tilespmem:$0x1F900] =	vst v63  }
0x138: {  	_ =	swait.ge [sflag:s4], $0xA000  }
0x139: {  	[sflag:s4] =	ssyncset.done $0x0  }
0x13a: {  	[sflag:s4] =	ssyncadd.s32 $0xFFFF6000  }
0x13b: {  	[tilespmem:s6], [sflag:$0x1] =	stream.indirect.gather [hbm4b:s7+s11], $0x80, s18, s11, $0xb8;
	[tilespmem:$0x1F900] =	vst v63  }
0x13c: {  	_ =	swait.ge [sflag:s8], $0xA000  }
0x13d: {  	[sflag:s8] =	ssyncset.done $0x0  }
0x13e: {  	s0 =	rddreg [dreg:$0x11];
	[sflag:s8] =	ssyncadd.s32 $0xFFFF6000  }
0x13f: {  	[hbm4b:s0+s2] =	stream.linear.scatter [tilespmem:s3], [sflag:$0x5], $0xA000, $0x38;
	[tilespmem:$0x1F900] =	vst v63  }
0x140: {  	_ =	swait.ge [sflag:s5], $0xA000  }
0x141: {  	[sflag:s5] =	ssyncset.done $0x0  }
0x142: {  	[sflag:s5] =	ssyncadd.s32 $0xFFFF6000  }
0x143: {  	[tilespmem:s3], [sflag:$0x2] =	stream.indirect.gather [hbm4b:s7+s11], $0x80, s17, s11, $0xb8;
	[tilespmem:$0x1F900] =	vst v63  }
0x144: {  	_ =	swait.ge [sflag:s13], $0xA000  }
0x145: {  	[sflag:s13] =	ssyncset.done $0x0  }
0x146: {  	s0 =	rddreg [dreg:$0x12];
	[sflag:s13] =	ssyncadd.s32 $0xFFFF6000  }
0x147: {  	[hbm4b:s0+s2] =	stream.linear.scatter [tilespmem:s12], [sflag:$0x6], $0xA000, $0x38;
	[tilespmem:$0x1F900] =	vst v63  }
0x148: {  	_ =	swait.ge [sflag:s9], $0xA000  }
0x149: {  	[sflag:s9] =	ssyncset.done $0x0  }
0x14a: {  	[sflag:s9] =	ssyncadd.s32 $0xFFFF6000  }
0x14b: {  	[tilespmem:s12], [sflag:$0x3] =	stream.indirect.gather [hbm4b:s7+s11], $0x80, s16, s11, $0xb8;
	[tilespmem:$0x1F900] =	vst v63  }
0x14c: {  	_ =	swait.ge [sflag:s10], $0xA000  }
0x14d: {  	[sflag:s10] =	ssyncset.done $0x0  }
0x14e: {  	s0 =	rddreg [dreg:$0x13];
	[sflag:s10] =	ssyncadd.s32 $0xFFFF6000  }
0x14f: {  	[hbm4b:s0+s2] =	stream.linear.scatter [tilespmem:s6], [sflag:$0x4], $0xA000, $0x38;
	[tilespmem:$0x1F900] =	vst v63  }
0x150: {  	_ =	swait.ge [sflag:s4], $0xA000  }
0x151: {  	[sflag:s4] =	ssyncset.done $0x0  }
0x152: {  	[sflag:s4] =	ssyncadd.s32 $0xFFFF6000  }
0x153: {  	[tilespmem:s6], [sflag:$0x1] =	stream.indirect.gather [hbm4b:s7+s11], $0x80, s15, s11, $0xb8;
	[tilespmem:$0x1F900] =	vst v63  }
0x154: {  	_ =	swait.ge [sflag:s8], $0xA000  }
0x155: {  	[sflag:s8] =	ssyncset.done $0x0  }
0x156: {  	s0 =	rddreg [dreg:$0x14];
	[sflag:s8] =	ssyncadd.s32 $0xFFFF6000  }
0x157: {  	[hbm4b:s0+s2] =	stream.linear.scatter [tilespmem:s3], [sflag:$0x5], $0xA000, $0x38;
	[tilespmem:$0x1F900] =	vst v63  }
0x158: {  	_ =	swait.ge [sflag:s5], $0xA000  }
0x159: {  	[sflag:s5] =	ssyncset.done $0x0  }
0x15a: {  	[sflag:s5] =	ssyncadd.s32 $0xFFFF6000  }
0x15b: {  	[tilespmem:s3], [sflag:$0x2] =	stream.indirect.gather [hbm4b:s7+s11], $0x80, s14, s11, $0xb8;
	[tilespmem:$0x1F900] =	vst v63  }
0x15c: {  	_ =	swait.ge [sflag:s13], $0xA000  }
0x15d: {  	[sflag:s13] =	ssyncset.done $0x0  }
0x15e: {  	s0 =	rddreg [dreg:$0x15];
	[sflag:s13] =	ssyncadd.s32 $0xFFFF6000  }
0x15f: {  	[hbm4b:s0+s2] =	stream.linear.scatter [tilespmem:s12], [sflag:$0x6], $0xA000, $0x38;
	[tilespmem:$0x1F900] =	vst v63  }
0x160: {  	_ =	swait.ge [sflag:s10], $0xA000  }
0x161: {  	[sflag:s10] =	ssyncset.done $0x0  }
0x162: {  	s0 =	rddreg [dreg:$0x16];
	[sflag:s10] =	ssyncadd.s32 $0xFFFF6000  }
0x163: {  	[hbm4b:s0+s2] =	stream.linear.scatter [tilespmem:s6], [sflag:$0x4], $0xA000, $0x38;
	[tilespmem:$0x1F900] =	vst v63  }
0x164: {  	_ =	swait.ge [sflag:s8], $0xA000  }
0x165: {  	[sflag:s8] =	ssyncset.done $0x0  }
0x166: {  	s0 =	rddreg [dreg:$0x17];
	[sflag:s8] =	ssyncadd.s32 $0xFFFF6000  }
0x167: {  	[hbm4b:s0+s2] =	stream.linear.scatter [tilespmem:s3], [sflag:$0x5], $0xA000, $0x38;
	[tilespmem:$0x1F900] =	vst v63  }
0x168: {  	_ =	swait.ge [sflag:s9], $0xA000  }
0x169: {  	[sflag:s9] =	ssyncset.done $0x0  }
0x16a: {  	p1 =	sne.s32 s1, $0x1;
	[sflag:s9] =	ssyncadd.s32 $0xFFFF6000  }
.Ltmp2:
0x16b: {  	_ =	swait.ge [sflag:s4], $0xA000;
	(pc) =	sbr.rel @p1 .LBB2_2-.Ltmp2, $4  }
0x16c: {  	[sflag:s4] =	ssyncset.done $0x0  }
0x16d: {  	[sflag:s4] =	ssyncadd.s32 $0xFFFF6000  }
0x16e: {  	_ =	swait.ge [sflag:s5], $0xA000  }
0x16f: {  	s1 =	sadd.s32 $0xFFFFFFFF, s1;
	s0 =	rddreg [dreg:$0x3];
	[sflag:s5] =	ssyncset.done $0x0  }
.LBB2_3:
0x170: {  	[sflag:s5] =	ssyncadd.s32 @p0 $0xFFFF6000  }
0x171: {  	[tilespmem:s2], [sflag:$0x7] =	stream.linear.gather [hbm4b:s0+s2], $0x1900, $0x38;
	[tilespmem:$0x1F900] =	vst v63  }
0x172: {  	_ =	swait.ge [sflag:s31], $0x1900  }
0x173: {  	[sflag:s31] =	ssyncset.done $0x0  }
0x174: {  	[sflag:s31] =	ssyncadd.s32 $0xFFFFE700  }
0x175: {  	[tilespmem:s6], [sflag:$0x1] =	stream.indirect.gather [hbm4b:s7+s11], $0x80, s2, s11, $0xb8;
	[tilespmem:$0x1F900] =	vst v63  }
0x176: {  	_ = 	snop  }
0x177: {  	[tilespmem:s3], [sflag:$0x2] =	stream.indirect.gather [hbm4b:s7+s11], $0x80, s11, s11, $0xb8;
	[tilespmem:$0x1F900] =	vst v63  }
0x178: {  	s31 =	rddreg [dreg:$0x18]  }
0x179: {  	[tilespmem:s12], [sflag:$0x3] =	stream.indirect.gather [hbm4b:s7+s11], $0x80, s31, s11, $0xb8;
	[tilespmem:$0x1F900] =	vst v63  }
0x17a: {  	_ =	swait.ge [sflag:s10], $0xA000  }
0x17b: {  	[sflag:s10] =	ssyncset.done $0x0  }
0x17c: {  	s1 =	rddreg [dreg:$0x4];
	[sflag:s10] =	ssyncadd.s32 $0xFFFF6000  }
0x17d: {  	[hbm4b:s1+s2] =	stream.linear.scatter [tilespmem:s6], [sflag:$0x4], $0xA000, $0x38;
	[tilespmem:$0x1F900] =	vst v63  }
0x17e: {  	_ =	swait.ge [sflag:s4], $0xA000  }
0x17f: {  	[sflag:s4] =	ssyncset.done $0x0  }
0x180: {  	s31 =	rddreg [dreg:$0x19];
	[sflag:s4] =	ssyncadd.s32 $0xFFFF6000  }
0x181: {  	[tilespmem:s6], [sflag:$0x1] =	stream.indirect.gather [hbm4b:s7+s11], $0x80, s31, s11, $0xb8;
	[tilespmem:$0x1F900] =	vst v63  }
0x182: {  	_ =	swait.ge [sflag:s8], $0xA000  }
0x183: {  	[sflag:s8] =	ssyncset.done $0x0  }
0x184: {  	s1 =	rddreg [dreg:$0x5];
	[sflag:s8] =	ssyncadd.s32 $0xFFFF6000  }
0x185: {  	[hbm4b:s1+s2] =	stream.linear.scatter [tilespmem:s3], [sflag:$0x5], $0xA000, $0x38;
	[tilespmem:$0x1F900] =	vst v63  }
0x186: {  	_ =	swait.ge [sflag:s5], $0xA000  }
0x187: {  	[sflag:s5] =	ssyncset.done $0x0  }
0x188: {  	[sflag:s5] =	ssyncadd.s32 $0xFFFF6000  }
0x189: {  	[tilespmem:s3], [sflag:$0x2] =	stream.indirect.gather [hbm4b:s7+s11], $0x80, s30, s11, $0xb8;
	[tilespmem:$0x1F900] =	vst v63  }
0x18a: {  	_ =	swait.ge [sflag:s13], $0xA000  }
0x18b: {  	[sflag:s13] =	ssyncset.done $0x0  }
0x18c: {  	s30 =	rddreg [dreg:$0x6];
	[sflag:s13] =	ssyncadd.s32 $0xFFFF6000  }
0x18d: {  	[hbm4b:s30+s2] =	stream.linear.scatter [tilespmem:s12], [sflag:$0x6], $0xA000, $0x38;
	[tilespmem:$0x1F900] =	vst v63  }
0x18e: {  	_ =	swait.ge [sflag:s9], $0xA000  }
0x18f: {  	[sflag:s9] =	ssyncset.done $0x0  }
0x190: {  	[sflag:s9] =	ssyncadd.s32 $0xFFFF6000  }
0x191: {  	[tilespmem:s12], [sflag:$0x3] =	stream.indirect.gather [hbm4b:s7+s11], $0x80, s29, s11, $0xb8;
	[tilespmem:$0x1F900] =	vst v63  }
0x192: {  	_ =	swait.ge [sflag:s10], $0xA000  }
0x193: {  	[sflag:s10] =	ssyncset.done $0x0  }
0x194: {  	s31 =	rddreg [dreg:$0x7];
	[sflag:s10] =	ssyncadd.s32 $0xFFFF6000  }
0x195: {  	[hbm4b:s31+s2] =	stream.linear.scatter [tilespmem:s6], [sflag:$0x4], $0xA000, $0x38;
	[tilespmem:$0x1F900] =	vst v63  }
0x196: {  	_ =	swait.ge [sflag:s4], $0xA000  }
0x197: {  	[sflag:s4] =	ssyncset.done $0x0  }
0x198: {  	[sflag:s4] =	ssyncadd.s32 $0xFFFF6000  }
0x199: {  	[tilespmem:s6], [sflag:$0x1] =	stream.indirect.gather [hbm4b:s7+s11], $0x80, s28, s11, $0xb8;
	[tilespmem:$0x1F900] =	vst v63  }
0x19a: {  	_ =	swait.ge [sflag:s8], $0xA000  }
0x19b: {  	[sflag:s8] =	ssyncset.done $0x0  }
0x19c: {  	s1 =	rddreg [dreg:$0x8];
	[sflag:s8] =	ssyncadd.s32 $0xFFFF6000  }
0x19d: {  	[hbm4b:s1+s2] =	stream.linear.scatter [tilespmem:s3], [sflag:$0x5], $0xA000, $0x38;
	[tilespmem:$0x1F900] =	vst v63  }
0x19e: {  	_ =	swait.ge [sflag:s5], $0xA000  }
0x19f: {  	[sflag:s5] =	ssyncset.done $0x0  }
0x1a0: {  	[sflag:s5] =	ssyncadd.s32 $0xFFFF6000  }
0x1a1: {  	[tilespmem:s3], [sflag:$0x2] =	stream.indirect.gather [hbm4b:s7+s11], $0x80, s26, s11, $0xb8;
	[tilespmem:$0x1F900] =	vst v63  }
0x1a2: {  	_ =	swait.ge [sflag:s13], $0xA000  }
0x1a3: {  	[sflag:s13] =	ssyncset.done $0x0  }
0x1a4: {  	s26 =	rddreg [dreg:$0x9];
	[sflag:s13] =	ssyncadd.s32 $0xFFFF6000  }
0x1a5: {  	[hbm4b:s26+s2] =	stream.linear.scatter [tilespmem:s12], [sflag:$0x6], $0xA000, $0x38;
	[tilespmem:$0x1F900] =	vst v63  }
0x1a6: {  	_ =	swait.ge [sflag:s9], $0xA000  }
0x1a7: {  	[sflag:s9] =	ssyncset.done $0x0  }
0x1a8: {  	[sflag:s9] =	ssyncadd.s32 $0xFFFF6000  }
0x1a9: {  	[tilespmem:s12], [sflag:$0x3] =	stream.indirect.gather [hbm4b:s7+s11], $0x80, s25, s11, $0xb8;
	[tilespmem:$0x1F900] =	vst v63  }
0x1aa: {  	_ =	swait.ge [sflag:s10], $0xA000  }
0x1ab: {  	[sflag:s10] =	ssyncset.done $0x0  }
0x1ac: {  	s28 =	rddreg [dreg:$0xa];
	[sflag:s10] =	ssyncadd.s32 $0xFFFF6000  }
0x1ad: {  	[hbm4b:s28+s2] =	stream.linear.scatter [tilespmem:s6], [sflag:$0x4], $0xA000, $0x38;
	[tilespmem:$0x1F900] =	vst v63  }
0x1ae: {  	_ =	swait.ge [sflag:s4], $0xA000  }
0x1af: {  	[sflag:s4] =	ssyncset.done $0x0  }
0x1b0: {  	[sflag:s4] =	ssyncadd.s32 $0xFFFF6000  }
0x1b1: {  	[tilespmem:s6], [sflag:$0x1] =	stream.indirect.gather [hbm4b:s7+s11], $0x80, s24, s11, $0xb8;
	[tilespmem:$0x1F900] =	vst v63  }
0x1b2: {  	_ =	swait.ge [sflag:s8], $0xA000  }
0x1b3: {  	[sflag:s8] =	ssyncset.done $0x0  }
0x1b4: {  	s29 =	rddreg [dreg:$0xb];
	[sflag:s8] =	ssyncadd.s32 $0xFFFF6000  }
0x1b5: {  	[hbm4b:s29+s2] =	stream.linear.scatter [tilespmem:s3], [sflag:$0x5], $0xA000, $0x38;
	[tilespmem:$0x1F900] =	vst v63  }
0x1b6: {  	_ =	swait.ge [sflag:s5], $0xA000  }
0x1b7: {  	[sflag:s5] =	ssyncset.done $0x0  }
0x1b8: {  	[sflag:s5] =	ssyncadd.s32 $0xFFFF6000  }
0x1b9: {  	[tilespmem:s3], [sflag:$0x2] =	stream.indirect.gather [hbm4b:s7+s11], $0x80, s23, s11, $0xb8;
	[tilespmem:$0x1F900] =	vst v63  }
0x1ba: {  	_ =	swait.ge [sflag:s13], $0xA000  }
0x1bb: {  	[sflag:s13] =	ssyncset.done $0x0  }
0x1bc: {  	s30 =	rddreg [dreg:$0xc];
	[sflag:s13] =	ssyncadd.s32 $0xFFFF6000  }
0x1bd: {  	[hbm4b:s30+s2] =	stream.linear.scatter [tilespmem:s12], [sflag:$0x6], $0xA000, $0x38;
	[tilespmem:$0x1F900] =	vst v63  }
0x1be: {  	_ =	swait.ge [sflag:s9], $0xA000  }
0x1bf: {  	[sflag:s9] =	ssyncset.done $0x0  }
0x1c0: {  	[sflag:s9] =	ssyncadd.s32 $0xFFFF6000  }
0x1c1: {  	[tilespmem:s12], [sflag:$0x3] =	stream.indirect.gather [hbm4b:s7+s11], $0x80, s22, s11, $0xb8;
	[tilespmem:$0x1F900] =	vst v63  }
0x1c2: {  	_ =	swait.ge [sflag:s10], $0xA000  }
0x1c3: {  	[sflag:s10] =	ssyncset.done $0x0  }
0x1c4: {  	s31 =	rddreg [dreg:$0xd];
	[sflag:s10] =	ssyncadd.s32 $0xFFFF6000  }
0x1c5: {  	[hbm4b:s31+s2] =	stream.linear.scatter [tilespmem:s6], [sflag:$0x4], $0xA000, $0x38;
	[tilespmem:$0x1F900] =	vst v63  }
0x1c6: {  	_ =	swait.ge [sflag:s4], $0xA000  }
0x1c7: {  	[sflag:s4] =	ssyncset.done $0x0  }
0x1c8: {  	[sflag:s4] =	ssyncadd.s32 $0xFFFF6000  }
0x1c9: {  	[tilespmem:s6], [sflag:$0x1] =	stream.indirect.gather [hbm4b:s7+s11], $0x80, s21, s11, $0xb8;
	[tilespmem:$0x1F900] =	vst v63  }
0x1ca: {  	_ =	swait.ge [sflag:s8], $0xA000  }
0x1cb: {  	[sflag:s8] =	ssyncset.done $0x0  }
0x1cc: {  	s1 =	rddreg [dreg:$0xe];
	[sflag:s8] =	ssyncadd.s32 $0xFFFF6000  }
0x1cd: {  	[hbm4b:s1+s2] =	stream.linear.scatter [tilespmem:s3], [sflag:$0x5], $0xA000, $0x38;
	[tilespmem:$0x1F900] =	vst v63  }
0x1ce: {  	_ =	swait.ge [sflag:s5], $0xA000  }
0x1cf: {  	[sflag:s5] =	ssyncset.done $0x0  }
0x1d0: {  	[sflag:s5] =	ssyncadd.s32 $0xFFFF6000  }
0x1d1: {  	[tilespmem:s3], [sflag:$0x2] =	stream.indirect.gather [hbm4b:s7+s11], $0x80, s20, s11, $0xb8;
	[tilespmem:$0x1F900] =	vst v63  }
0x1d2: {  	_ =	swait.ge [sflag:s13], $0xA000  }
0x1d3: {  	[sflag:s13] =	ssyncset.done $0x0  }
0x1d4: {  	s21 =	rddreg [dreg:$0xf];
	[sflag:s13] =	ssyncadd.s32 $0xFFFF6000  }
0x1d5: {  	[hbm4b:s21+s2] =	stream.linear.scatter [tilespmem:s12], [sflag:$0x6], $0xA000, $0x38;
	[tilespmem:$0x1F900] =	vst v63  }
0x1d6: {  	_ =	swait.ge [sflag:s9], $0xA000  }
0x1d7: {  	[sflag:s9] =	ssyncset.done $0x0  }
0x1d8: {  	[sflag:s9] =	ssyncadd.s32 $0xFFFF6000  }
0x1d9: {  	[tilespmem:s12], [sflag:$0x3] =	stream.indirect.gather [hbm4b:s7+s11], $0x80, s19, s11, $0xb8;
	[tilespmem:$0x1F900] =	vst v63  }
0x1da: {  	_ =	swait.ge [sflag:s10], $0xA000  }
0x1db: {  	[sflag:s10] =	ssyncset.done $0x0  }
0x1dc: {  	s22 =	rddreg [dreg:$0x10];
	[sflag:s10] =	ssyncadd.s32 $0xFFFF6000  }
0x1dd: {  	[hbm4b:s22+s2] =	stream.linear.scatter [tilespmem:s6], [sflag:$0x4], $0xA000, $0x38;
	[tilespmem:$0x1F900] =	vst v63  }
0x1de: {  	_ =	swait.ge [sflag:s4], $0xA000  }
0x1df: {  	[sflag:s4] =	ssyncset.done $0x0  }
0x1e0: {  	[sflag:s4] =	ssyncadd.s32 $0xFFFF6000  }
0x1e1: {  	[tilespmem:s6], [sflag:$0x1] =	stream.indirect.gather [hbm4b:s7+s11], $0x80, s18, s11, $0xb8;
	[tilespmem:$0x1F900] =	vst v63  }
0x1e2: {  	_ =	swait.ge [sflag:s8], $0xA000  }
0x1e3: {  	[sflag:s8] =	ssyncset.done $0x0  }
0x1e4: {  	s23 =	rddreg [dreg:$0x11];
	[sflag:s8] =	ssyncadd.s32 $0xFFFF6000  }
0x1e5: {  	[hbm4b:s23+s2] =	stream.linear.scatter [tilespmem:s3], [sflag:$0x5], $0xA000, $0x38;
	[tilespmem:$0x1F900] =	vst v63  }
0x1e6: {  	_ =	swait.ge [sflag:s5], $0xA000  }
0x1e7: {  	[sflag:s5] =	ssyncset.done $0x0  }
0x1e8: {  	[sflag:s5] =	ssyncadd.s32 $0xFFFF6000  }
0x1e9: {  	[tilespmem:s3], [sflag:$0x2] =	stream.indirect.gather [hbm4b:s7+s11], $0x80, s17, s11, $0xb8;
	[tilespmem:$0x1F900] =	vst v63  }
0x1ea: {  	_ =	swait.ge [sflag:s13], $0xA000  }
0x1eb: {  	[sflag:s13] =	ssyncset.done $0x0  }
0x1ec: {  	s24 =	rddreg [dreg:$0x12];
	[sflag:s13] =	ssyncadd.s32 $0xFFFF6000  }
0x1ed: {  	[hbm4b:s24+s2] =	stream.linear.scatter [tilespmem:s12], [sflag:$0x6], $0xA000, $0x38;
	[tilespmem:$0x1F900] =	vst v63  }
0x1ee: {  	_ =	swait.ge [sflag:s9], $0xA000  }
0x1ef: {  	[sflag:s9] =	ssyncset.done $0x0  }
0x1f0: {  	[sflag:s9] =	ssyncadd.s32 $0xFFFF6000  }
0x1f1: {  	[tilespmem:s12], [sflag:$0x3] =	stream.indirect.gather [hbm4b:s7+s11], $0x80, s16, s11, $0xb8;
	[tilespmem:$0x1F900] =	vst v63  }
0x1f2: {  	_ =	swait.ge [sflag:s10], $0xA000  }
0x1f3: {  	[sflag:s10] =	ssyncset.done $0x0  }
0x1f4: {  	s25 =	rddreg [dreg:$0x13];
	[sflag:s10] =	ssyncadd.s32 $0xFFFF6000  }
0x1f5: {  	[hbm4b:s25+s2] =	stream.linear.scatter [tilespmem:s6], [sflag:$0x4], $0xA000, $0x38;
	[tilespmem:$0x1F900] =	vst v63  }
0x1f6: {  	_ =	swait.ge [sflag:s4], $0xA000  }
0x1f7: {  	[sflag:s4] =	ssyncset.done $0x0  }
0x1f8: {  	[sflag:s4] =	ssyncadd.s32 $0xFFFF6000  }
0x1f9: {  	[tilespmem:s6], [sflag:$0x1] =	stream.indirect.gather [hbm4b:s7+s11], $0x80, s15, s11, $0xb8;
	[tilespmem:$0x1F900] =	vst v63  }
0x1fa: {  	_ =	swait.ge [sflag:s8], $0xA000  }
0x1fb: {  	[sflag:s8] =	ssyncset.done $0x0  }
0x1fc: {  	s26 =	rddreg [dreg:$0x14];
	[sflag:s8] =	ssyncadd.s32 $0xFFFF6000  }
0x1fd: {  	[hbm4b:s26+s2] =	stream.linear.scatter [tilespmem:s3], [sflag:$0x5], $0xA000, $0x38;
	[tilespmem:$0x1F900] =	vst v63  }
0x1fe: {  	_ =	swait.ge [sflag:s5], $0xA000  }
0x1ff: {  	[sflag:s5] =	ssyncset.done $0x0  }
0x200: {  	[sflag:s5] =	ssyncadd.s32 $0xFFFF6000  }
0x201: {  	[tilespmem:s3], [sflag:$0x2] =	stream.indirect.gather [hbm4b:s7+s11], $0x80, s14, s11, $0xb8;
	[tilespmem:$0x1F900] =	vst v63  }
0x202: {  	_ =	swait.ge [sflag:s13], $0xA000  }
0x203: {  	[sflag:s13] =	ssyncset.done $0x0  }
0x204: {  	s28 =	rddreg [dreg:$0x15];
	[sflag:s13] =	ssyncadd.s32 $0xFFFF6000  }
0x205: {  	[hbm4b:s28+s2] =	stream.linear.scatter [tilespmem:s12], [sflag:$0x6], $0xA000, $0x38;
	[tilespmem:$0x1F900] =	vst v63  }
0x206: {  	_ =	swait.ge [sflag:s10], $0xA000  }
0x207: {  	[sflag:s10] =	ssyncset.done $0x0  }
0x208: {  	s29 =	rddreg [dreg:$0x16];
	[sflag:s10] =	ssyncadd.s32 $0xFFFF6000  }
0x209: {  	[hbm4b:s29+s2] =	stream.linear.scatter [tilespmem:s6], [sflag:$0x4], $0xA000, $0x38;
	[tilespmem:$0x1F900] =	vst v63  }
0x20a: {  	_ =	swait.ge [sflag:s8], $0xA000  }
0x20b: {  	[sflag:s8] =	ssyncset.done $0x0  }
0x20c: {  	s30 =	rddreg [dreg:$0x17];
	[sflag:s8] =	ssyncadd.s32 $0xFFFF6000  }
0x20d: {  	[hbm4b:s30+s2] =	stream.linear.scatter [tilespmem:s3], [sflag:$0x5], $0xA000, $0x38;
	[tilespmem:$0x1F900] =	vst v63  }
0x20e: {  	_ =	swait.ge [sflag:s9], $0xA000  }
0x20f: {  	[sflag:s9] =	ssyncset.done $0x0  }
0x210: {  	[sflag:s9] =	ssyncadd.s32 $0xFFFF6000  }
0x211: {  	_ =	swait.ge [sflag:s4], $0xA000  }
0x212: {  	[sflag:s4] =	ssyncset.done $0x0  }
0x213: {  	[sflag:s4] =	ssyncadd.s32 $0xFFFF6000  }
0x214: {  	_ =	swait.ge [sflag:s5], $0xA000  }
0x215: {  	[sflag:s5] =	ssyncset.done $0x0  }
0x216: {  	[sflag:s5] =	ssyncadd.s32 $0xFFFF6000  }
0x217: {  	_ =	sfence.sel $0x180000  }
0x218: {  	[bflag:$0x0] =	sbarrier.arrive $0xFFFF  }
0x219: {  	_ =	strace $0x90000047  }
0x21a: {  	s31 =	stileid.u32;
	[bflag:$0x2] =	sbarrier.arrive $0xFFFF  }
0x21b: {  	p0 =	sne.s32 s31, $0x0;
	s0 =	rddreg [dreg:$0x2]  }
0x21c: {  	s0 =	sadd.s32 @!p0 $0x100000, s0  }
0x21d: {  	[sflag:s0] =	ssyncadd.tile.s32 @!p0 $0x1;
	_ =	shalt  }
.Lfunc_end2:
_tile_overlayer_lowered:
.L_overlay_start_2:
0x21e: {  	(tag) =	ssettag $0x2  }
0x21f: {  	s0 =	rddreg [dreg:$0x0];
	s2 =	stileid.u32  }
0x220: {  	s1 =	rddreg [dreg:$0x1];
	p0 =	sne.s32 s2, $0x0  }
0x221: {  	s3 =	rddreg [dreg:$0x2];
	[bflag:$0x3] =	sbarrier.arrive $0xFFFF;
	s2 =	simm.s32 @!p0 $0x1C07  }
0x222: {  	[timem:s3], [sflag:s2] =	dma.local @!p0 [hbm:s0], s1  }
0x223: {  	s0 =	simm.s32 @!p0 $0x7  }
0x224: {  	_ =	swait.ge @!p0 [sflag:s0], s1  }
0x225: {  	s1 =	ssub.s32 @!p0 $0x0, s1;
	[sflag:s0] =	ssyncset.done @!p0 $0x0  }
0x226: {  	[sflag:s0] =	ssyncadd.s32 @!p0 s1  }
0x227: {  	[bflag:$0x3] =	sbarrier.arrive $0xFFFF  }
0x228: {  	_ =	shalt  }

</sc_bundles>
